<compile_context>
chip_gen: v7x
topology: tpu7x:2x2x1
jax: 0.10.2.dev20260603
libtpu: 0.0.44.dev20260713+nightly
codegen_flags: <defaults>
</compile_context>

<pallas_src>
import functools

import jax
import jax.numpy as jnp
from jax import lax
from jax.experimental import pallas as pl
from jax.experimental.pallas import tpu as pltpu
from jax.experimental.pallas import tpu_sc as plsc

B = 4
N = 2048
D = 1024
KI = 512
KR = 32
RB = 256
NRB = N // RB
RROWS = 16
NEG = -3.0e38
BIGI = 1 << 30


def _scores_diag_body(q_ref, k_ref, s_ref, st_ref):
    qb = q_ref[0]
    kb = k_ref[0]
    s = lax.dot_general(qb, kb, (((1,), (1,)), ((), ())),
                        preferred_element_type=jnp.float32)
    s_ref[0] = s
    rb = pl.program_id(1)
    rows = lax.broadcasted_iota(jnp.int32, (RB, N), 0) + rb * RB
    cols = lax.broadcasted_iota(jnp.int32, (RB, N), 1)
    m = jnp.max(s, axis=1, keepdims=True)
    d = jnp.max(jnp.where(rows == cols, s, NEG), axis=1, keepdims=True)
    st_ref[0, 0] = jnp.concatenate([m, d], axis=1)


def _lane_cumsum(x, width):
    cols = lax.broadcasted_iota(jnp.int32, x.shape, x.ndim - 1)
    s = 1
    while s < width:
        x = x + jnp.where(cols >= s, jnp.roll(x, s, axis=-1), 0)
        s *= 2
    return x


def _topk_diag_body(m_ref, d_ref, z_ref, tkc_ref):
    dp = jnp.exp(d_ref[0] - m_ref[0]) / z_ref[0]
    key = lax.bitcast_convert_type(dp, jnp.int32)

    def bit_iter(i, carry):
        prefix, kk = carry
        bit = 30 - i
        cand = prefix | jnp.left_shift(jnp.int32(1), bit)
        c = jnp.sum((lax.shift_right_arithmetic(key, bit)
                     == lax.shift_right_arithmetic(cand, bit)).astype(jnp.int32),
                    axis=1, keepdims=True)
        take = c >= kk
        return jnp.where(take, cand, prefix), jnp.where(take, kk, kk - c)

    prefix0 = jnp.zeros((1, 1), jnp.int32)
    kk0 = jnp.full((1, 1), KI, jnp.int32)
    t, _ = lax.fori_loop(0, 31, bit_iter, (prefix0, kk0))

    gt = key > t
    eq = key == t
    eqrank = _lane_cumsum(eq.astype(jnp.int32), N) - eq.astype(jnp.int32)
    r = KI - jnp.sum(gt.astype(jnp.int32), axis=1, keepdims=True)
    sel = gt | (eq & (eqrank < r))
    seli = sel.astype(jnp.int32)
    rank = _lane_cumsum(seli, N) - seli
    jcol = lax.broadcasted_iota(jnp.int32, (KI, N), 0)
    a = (jnp.broadcast_to(rank, (KI, N)) == jcol) & jnp.broadcast_to(sel, (KI, N))
    icol = lax.broadcasted_iota(jnp.int32, (N, 1), 0).astype(jnp.float32)
    tkc = lax.dot_general(a.astype(jnp.float32), icol, (((1,), (0,)), ((), ())),
                          preferred_element_type=jnp.float32,
                          precision=lax.Precision.HIGHEST)
    tkc_ref[0] = tkc.astype(jnp.int32)


def _rel_topk_body(qtk_ref, ktk_ref, tk_ref, tkc_ref, st_ref, c_ref, o_ref):
    qt = qtk_ref[0]
    kt = ktk_ref[0]
    s = lax.dot_general(qt, kt, (((1,), (1,)), ((), ())),
                        preferred_element_type=jnp.float32)
    rows = lax.broadcasted_iota(jnp.int32, (KI, KI), 0)
    cols = lax.broadcasted_iota(jnp.int32, (KI, KI), 1)
    colsn = lax.broadcasted_iota(jnp.int32, (KI, N), 1)
    oh = (jnp.broadcast_to(tkc_ref[0], (KI, N)) == colsn).astype(jnp.float32)
    mz = lax.dot_general(oh, st_ref[0], (((1,), (0,)), ((), ())),
                         preferred_element_type=jnp.float32,
                         precision=lax.Precision.HIGHEST)
    p = jnp.exp(s - mz[:, 0:1]) / mz[:, 1:2]
    p = jnp.where(rows == cols, 1.0e9, p)
    tkb = jnp.broadcast_to(tk_ref[0], (KI, KI))

    slots = lax.broadcasted_iota(jnp.int32, (KI, KR), 1)

    def phase_a(i, carry):
        v, cmat, omat = carry
        m = jnp.max(v, axis=1, keepdims=True)
        first = jnp.min(jnp.where(v == m, cols, KI), axis=1, keepdims=True)
        hit = cols == first
        obj_i = jnp.min(jnp.where(hit, tkb, BIGI), axis=1, keepdims=True)
        cmat = jnp.where(slots == i, first, cmat)
        omat = jnp.where(slots == i, obj_i, omat)
        return jnp.where(hit, NEG, v), cmat, omat

    zm = jnp.zeros((KI, KR), jnp.int32)
    _, cmat, omat = lax.fori_loop(0, KR, phase_a, (p, zm, zm))

    def oe_round(r, mats):
        parity = r % 2
        out = []
        for mat in mats:
            right = jnp.roll(mat, -1, axis=1)
            left = jnp.roll(mat, 1, axis=1)
            lo = (slots % 2 == parity) & (slots < KR - 1)
            hi = (slots % 2 != parity) & (slots > 0)
            out.append(jnp.where(lo, jnp.minimum(mat, right),
                                 jnp.where(hi, jnp.maximum(mat, left), mat)))
        return tuple(out)

    cmat, omat = lax.fori_loop(0, KR, oe_round, (cmat, omat))
    c_ref[0] = cmat
    o_ref[0] = omat


def _relnorm_body(qtk_ref, c_ref, out_ref):
    rb = pl.program_id(1)
    qt = qtk_ref[0]
    cb = c_ref[0]
    t = lax.broadcasted_iota(jnp.int32, (RROWS, KR, KI), 2)
    onehot = (cb[:, :, None] == t).astype(jnp.float32).reshape(RROWS * KR, KI)
    obj = lax.dot_general(onehot, qt, (((1,), (0,)), ((), ())),
                          preferred_element_type=jnp.float32)
    qs = qtk_ref[0, pl.ds(rb * RROWS, RROWS)]
    subj = jnp.broadcast_to(qs[:, None, :],
                            (RROWS, KR, D)).reshape(RROWS * KR, D)
    rel = subj + obj
    mean = jnp.mean(rel, axis=1, keepdims=True)
    cen = rel - mean
    var = jnp.mean(cen * cen, axis=1, keepdims=True)
    out_ref[0] = cen / jnp.sqrt(var + 1e-5)


def _sc_gather(qf, kf, absidx):
    info = plsc.get_sparse_core_info()
    nc = info.num_cores
    nw = nc * info.num_subcores
    bpw = (B * KI) // nw
    mesh = plsc.VectorSubcoreMesh(core_axis_name="c", subcore_axis_name="s")

    @functools.partial(
        pl.kernel, mesh=mesh,
        out_type=[jax.ShapeDtypeStruct((B * KI, D), jnp.float32),
                  jax.ShapeDtypeStruct((B * KI, D), jnp.float32)],
        scratch_types=[pltpu.VMEM((bpw,), jnp.int32),
                       pltpu.VMEM((bpw, D), jnp.float32),
                       pltpu.SemaphoreType.DMA],
    )
    def gath(q_hbm, k_hbm, idx_hbm, qo_hbm, ko_hbm, idx_v, rows_v, sem):
        wid = lax.axis_index("s") * nc + lax.axis_index("c")
        base = wid * bpw
        pltpu.sync_copy(idx_hbm.at[pl.ds(base, bpw)], idx_v)
        pltpu.async_copy(q_hbm.at[idx_v], rows_v, sem).wait()
        pltpu.sync_copy(rows_v, qo_hbm.at[pl.ds(base, bpw)])
        pltpu.async_copy(k_hbm.at[idx_v], rows_v, sem).wait()
        pltpu.sync_copy(rows_v, ko_hbm.at[pl.ds(base, bpw)])

    return gath(qf, kf, absidx)


def kernel(q, k):
    scores, st = pl.pallas_call(
        _scores_diag_body,
        grid=(B, NRB),
        in_specs=[pl.BlockSpec((1, RB, D), lambda b, r: (b, r, 0)),
                  pl.BlockSpec((1, N, D), lambda b, r: (b, 0, 0))],
        out_specs=[pl.BlockSpec((1, RB, N), lambda b, r: (b, r, 0)),
                   pl.BlockSpec((1, 1, RB, 2), lambda b, r: (b, r, 0, 0))],
        out_shape=[jax.ShapeDtypeStruct((B, N, N), jnp.float32),
                   jax.ShapeDtypeStruct((B, NRB, RB, 2), jnp.float32)],
    )(q, k)
    st = st.reshape(B, N, 2)
    m = st[..., 0]
    d = st[..., 1]
    z = jnp.sum(jnp.exp(scores - m[:, :, None]), axis=-1)

    tkc = pl.pallas_call(
        _topk_diag_body,
        grid=(B,),
        in_specs=[pl.BlockSpec((1, 1, N), lambda b: (b, 0, 0)),
                  pl.BlockSpec((1, 1, N), lambda b: (b, 0, 0)),
                  pl.BlockSpec((1, 1, N), lambda b: (b, 0, 0))],
        out_specs=pl.BlockSpec((1, KI, 1), lambda b: (b, 0, 0)),
        out_shape=jax.ShapeDtypeStruct((B, KI, 1), jnp.int32),
    )(m.reshape(B, 1, N), d.reshape(B, 1, N), z.reshape(B, 1, N))
    tk = tkc.reshape(B, KI)

    absidx = (tk + N * jnp.arange(B, dtype=jnp.int32)[:, None]).reshape(B * KI)
    qtk_f, ktk_f = _sc_gather(q.reshape(B * N, D), k.reshape(B * N, D), absidx)
    qtk = qtk_f.reshape(B, KI, D)
    ktk = ktk_f.reshape(B, KI, D)

    c_ids, obj = pl.pallas_call(
        _rel_topk_body,
        grid=(B,),
        in_specs=[pl.BlockSpec((1, KI, D), lambda b: (b, 0, 0)),
                  pl.BlockSpec((1, KI, D), lambda b: (b, 0, 0)),
                  pl.BlockSpec((1, 1, KI), lambda b: (b, 0, 0)),
                  pl.BlockSpec((1, KI, 1), lambda b: (b, 0, 0)),
                  pl.BlockSpec((1, N, 2), lambda b: (b, 0, 0))],
        out_specs=[pl.BlockSpec((1, KI, KR), lambda b: (b, 0, 0)),
                   pl.BlockSpec((1, KI, KR), lambda b: (b, 0, 0))],
        out_shape=[jax.ShapeDtypeStruct((B, KI, KR), jnp.int32),
                   jax.ShapeDtypeStruct((B, KI, KR), jnp.int32)],
    )(qtk, ktk, tk.reshape(B, 1, KI), tkc, jnp.stack([m, z], axis=-1))

    rel_norm = pl.pallas_call(
        _relnorm_body,
        grid=(B, KI // RROWS),
        in_specs=[pl.BlockSpec((1, KI, D), lambda b, r: (b, 0, 0)),
                  pl.BlockSpec((1, RROWS, KR), lambda b, r: (b, r, 0))],
        out_specs=pl.BlockSpec((1, RROWS * KR, D), lambda b, r: (b, r, 0)),
        out_shape=jax.ShapeDtypeStruct((B, KI * KR, D), jnp.float32),
    )(qtk, c_ids)

    subj = jnp.broadcast_to(tk[:, :, None], (B, KI, KR)).reshape(B, KI * KR)
    objf = obj.reshape(B, KI * KR)
    bids = jnp.broadcast_to(jnp.arange(B, dtype=jnp.int32)[:, None],
                            (B, KI * KR))
    soi = jnp.stack([bids, subj, objf], axis=-1)
    return scores, soi, rel_norm

# --- scband reference (transcript-rebuilt; emitter-appended) ---
"""Pipeline reference for scband-relationship-attention-4913442586853 (READ-ONLY COPY).

The authoritative reference and input builder live on the scoring server;
editing this copy changes nothing except your own understanding.
"""

import jax, jax.numpy as jnp
import numpy as np

TOP_K_INSTANCES = 512
TOP_K_RELATIONSHIPS = 32


def setup_inputs(seed: int = 0):
    key = jax.random.key(seed)
    k1, k2 = jax.random.split(key)
    q = jax.random.normal(k1, (4, 2048, 1024), dtype=jnp.float32)
    k = jax.random.normal(k2, (4, 2048, 1024), dtype=jnp.float32)
    return {"q": q, "k": k}


def reference(q, k):
    B, N, D = q.shape
    Ki = TOP_K_INSTANCES
    Kr = TOP_K_RELATIONSHIPS
    # scores = einsum('b i d, b d j -> b i j', q, k.transpose(-1,-2)) == q @ k^T
    scores1 = jnp.einsum('bid,bjd->bij', q, k)
    probs = jax.nn.softmax(scores1, axis=-1)
    diag = jnp.diagonal(probs, axis1=-2, axis2=-1)  # [B, N]
    _, tk_idx = jax.lax.top_k(diag, Ki)
    tk_idx = jnp.sort(tk_idx, axis=-1)  # [B, Ki], ascending like torch.sort
    # select top-k rows
    rows = jnp.take_along_axis(probs, tk_idx[:, :, None], axis=1)  # [B, Ki, N]
    # gather top-k columns
    rel_scores = jnp.take_along_axis(
        rows, jnp.broadcast_to(tk_idx[:, None, :], (B, Ki, Ki)), axis=-1
    )  # [B, Ki, Ki]
    eye = jnp.eye(Ki, dtype=bool)
    rel_scores = jnp.where(eye[None, :, :], 1e9, rel_scores)
    _, rel_idx = jax.lax.top_k(rel_scores, Kr)  # [B, Ki, Kr]
    # torch scatter(-1) + torch.where returns positions in row-major order:
    # sorted by (b, row, col-ascending) -> equivalent to sorting topk cols per row
    cols_sorted = jnp.sort(rel_idx, axis=-1)  # [B, Ki, Kr]
    split_shape = Ki * Kr
    r_ids = jnp.broadcast_to(jnp.arange(Ki)[None, :, None], (B, Ki, Kr)).reshape(B, split_shape)
    c_ids = cols_sorted.reshape(B, split_shape)
    # map back through top_k_indices1 (gather on repeated top-k list)
    subj = jnp.take_along_axis(tk_idx, r_ids, axis=-1)  # [B, split_shape]
    obj = jnp.take_along_axis(tk_idx, c_ids, axis=-1)   # [B, split_shape]
    batch_ids = jnp.broadcast_to(jnp.arange(B)[:, None], (B, split_shape))
    subject_object_indices = jnp.stack([batch_ids, subj, obj], axis=-1)  # [B, split_shape, 3]
    subject_embeds = q[batch_ids, subj]  # [B, split_shape, D]
    object_embeds = q[batch_ids, obj]
    rel = subject_embeds + object_embeds
    mean = jnp.mean(rel, axis=-1, keepdims=True)
    var = jnp.var(rel, axis=-1, keepdims=True)
    rel_norm = (rel - mean) / jnp.sqrt(var + 1e-5)
    return (scores1, subject_object_indices, rel_norm)

if __name__ == "__main__":
    import jax
    _d = setup_inputs()
    print(jax.jit(kernel)(*tuple(_d.values())))

</pallas_src>

<mosaic_0001>
#map = affine_map<(d0, d1) -> (0, 0)>
#map1 = affine_map<(d0, d1) -> (0)>
module attributes {stable_mosaic.version = 14 : i64} {
  func.func @gath(%arg0: i32, %arg1: i32, %arg2: memref<8192x1024xf32, #tpu.memory_space<hbm>>, %arg3: memref<8192x1024xf32, #tpu.memory_space<hbm>>, %arg4: memref<2048xi32, #tpu.memory_space<hbm>>, %arg5: memref<2048x1024xf32, #tpu.memory_space<hbm>>, %arg6: memref<2048x1024xf32, #tpu.memory_space<hbm>>, %arg7: memref<64xi32, #tpu.memory_space<vmem>>, %arg8: memref<64x1024xf32, #tpu.memory_space<vmem>>, %arg9: memref<!tpu.dma_semaphore, #tpu.memory_space<semaphore_mem>>) attributes {dimension_semantics = [#tpu.dimension_semantics<core_parallel>, #tpu.dimension_semantics<subcore_parallel>], iteration_bounds = array<i64: 2, 16>, scalar_prefetch = 0 : i64, scratch_operands = 3 : i64, tpu.core_type = #tpu.core_type<sc_vector_subcore>, window_params = [{transform_indices = #map}, {transform_indices = #map}, {transform_indices = #map1}, {transform_indices = #map}, {transform_indices = #map}]} {
    %mul3A = arith.constant 2 : i32
    %mul3A_0 = arith.muli %arg1, %mul3A : i32
    %add3A = arith.addi %mul3A_0, %arg0 : i32
    %mul3A_1 = arith.constant 64 : i32
    %mul3A_2 = arith.muli %add3A, %mul3A_1 : i32
    "tpu.region"() ({
      %run_scoped3A = tpu.sem_alloc : memref<!tpu.dma_semaphore, #tpu.memory_space<semaphore_mem>>
      %dma_start3A_13 = tpu.memref_slice %arg4[%mul3A_2] : memref<2048xi32, #tpu.memory_space<hbm>> -> memref<64xi32, #tpu.memory_space<hbm>>
      %dma_start3A_14 = tpu.memref_slice %arg4[%mul3A_2] : memref<2048xi32, #tpu.memory_space<hbm>> -> memref<64xi32, #tpu.memory_space<hbm>>
      tpu.enqueue_dma source(%dma_start3A_14 : memref<64xi32, #tpu.memory_space<hbm>>) target(%arg7 : memref<64xi32, #tpu.memory_space<vmem>>) target_semaphore(%run_scoped3A : memref<!tpu.dma_semaphore, #tpu.memory_space<semaphore_mem>>)
      %dma_wait3A_15 = tpu.memref_slice %arg4[%mul3A_2] : memref<2048xi32, #tpu.memory_space<hbm>> -> memref<64xi32, #tpu.memory_space<hbm>>
      %dma_wait3A_16 = tpu.memref_slice %arg4[%mul3A_2] : memref<2048xi32, #tpu.memory_space<hbm>> -> memref<64xi32, #tpu.memory_space<hbm>>
      tpu.wait_dma2 semaphore(%run_scoped3A : memref<!tpu.dma_semaphore, #tpu.memory_space<semaphore_mem>>) src(%dma_wait3A_16 : memref<64xi32, #tpu.memory_space<hbm>>) dst(%arg7 : memref<64xi32, #tpu.memory_space<vmem>>)
      tpu.yield
    }) : () -> ()
    %dma_start3A = arith.constant 0 : i32
    %dma_start3A_3 = arith.constant 0 : i32
    %dma_start3A_4 = tpu.memref_slice %arg2[%dma_start3A, %dma_start3A_3] : memref<8192x1024xf32, #tpu.memory_space<hbm>> -> memref<8192x1024xf32, #tpu.memory_space<hbm>>
    tpu.enqueue_indirect_dma source(%dma_start3A_4 : memref<8192x1024xf32, #tpu.memory_space<hbm>>) target(%arg8 : memref<64x1024xf32, #tpu.memory_space<vmem>>) offsets(%arg7 : memref<64xi32, #tpu.memory_space<vmem>>) semaphore(%arg9 : memref<!tpu.dma_semaphore, #tpu.memory_space<semaphore_mem>>)
    %dma_wait3A = arith.constant 0 : i32
    %dma_wait3A_5 = arith.constant 0 : i32
    %dma_wait3A_6 = tpu.memref_slice %arg2[%dma_wait3A, %dma_wait3A_5] : memref<8192x1024xf32, #tpu.memory_space<hbm>> -> memref<8192x1024xf32, #tpu.memory_space<hbm>>
    tpu.wait_indirect_dma semaphore(%arg9 : memref<!tpu.dma_semaphore, #tpu.memory_space<semaphore_mem>>) src(%dma_wait3A_6 : memref<8192x1024xf32, #tpu.memory_space<hbm>>) dst(%arg8 : memref<64x1024xf32, #tpu.memory_space<vmem>>)
    "tpu.region"() ({
      %run_scoped3A = tpu.sem_alloc : memref<!tpu.dma_semaphore, #tpu.memory_space<semaphore_mem>>
      %dma_start3A_13 = arith.constant 0 : i32
      %dma_start3A_14 = tpu.memref_slice %arg5[%mul3A_2, %dma_start3A_13] : memref<2048x1024xf32, #tpu.memory_space<hbm>> -> memref<64x1024xf32, #tpu.memory_space<hbm>>
      %dma_start3A_15 = arith.constant 0 : i32
      %dma_start3A_16 = tpu.memref_slice %arg5[%mul3A_2, %dma_start3A_15] : memref<2048x1024xf32, #tpu.memory_space<hbm>> -> memref<64x1024xf32, #tpu.memory_space<hbm>>
      tpu.enqueue_dma source(%arg8 : memref<64x1024xf32, #tpu.memory_space<vmem>>) target(%dma_start3A_16 : memref<64x1024xf32, #tpu.memory_space<hbm>>) target_semaphore(%run_scoped3A : memref<!tpu.dma_semaphore, #tpu.memory_space<semaphore_mem>>)
      %dma_wait3A_17 = arith.constant 0 : i32
      %dma_wait3A_18 = tpu.memref_slice %arg5[%mul3A_2, %dma_wait3A_17] : memref<2048x1024xf32, #tpu.memory_space<hbm>> -> memref<64x1024xf32, #tpu.memory_space<hbm>>
      %dma_wait3A_19 = arith.constant 0 : i32
      %dma_wait3A_20 = tpu.memref_slice %arg5[%mul3A_2, %dma_wait3A_19] : memref<2048x1024xf32, #tpu.memory_space<hbm>> -> memref<64x1024xf32, #tpu.memory_space<hbm>>
      tpu.wait_dma2 semaphore(%run_scoped3A : memref<!tpu.dma_semaphore, #tpu.memory_space<semaphore_mem>>) src(%arg8 : memref<64x1024xf32, #tpu.memory_space<vmem>>) dst(%dma_wait3A_20 : memref<64x1024xf32, #tpu.memory_space<hbm>>)
      tpu.yield
    }) : () -> ()
    %dma_start3A_7 = arith.constant 0 : i32
    %dma_start3A_8 = arith.constant 0 : i32
    %dma_start3A_9 = tpu.memref_slice %arg3[%dma_start3A_7, %dma_start3A_8] : memref<8192x1024xf32, #tpu.memory_space<hbm>> -> memref<8192x1024xf32, #tpu.memory_space<hbm>>
    tpu.enqueue_indirect_dma source(%dma_start3A_9 : memref<8192x1024xf32, #tpu.memory_space<hbm>>) target(%arg8 : memref<64x1024xf32, #tpu.memory_space<vmem>>) offsets(%arg7 : memref<64xi32, #tpu.memory_space<vmem>>) semaphore(%arg9 : memref<!tpu.dma_semaphore, #tpu.memory_space<semaphore_mem>>)
    %dma_wait3A_10 = arith.constant 0 : i32
    %dma_wait3A_11 = arith.constant 0 : i32
    %dma_wait3A_12 = tpu.memref_slice %arg3[%dma_wait3A_10, %dma_wait3A_11] : memref<8192x1024xf32, #tpu.memory_space<hbm>> -> memref<8192x1024xf32, #tpu.memory_space<hbm>>
    tpu.wait_indirect_dma semaphore(%arg9 : memref<!tpu.dma_semaphore, #tpu.memory_space<semaphore_mem>>) src(%dma_wait3A_12 : memref<8192x1024xf32, #tpu.memory_space<hbm>>) dst(%arg8 : memref<64x1024xf32, #tpu.memory_space<vmem>>)
    "tpu.region"() ({
      %run_scoped3A = tpu.sem_alloc : memref<!tpu.dma_semaphore, #tpu.memory_space<semaphore_mem>>
      %dma_start3A_13 = arith.constant 0 : i32
      %dma_start3A_14 = tpu.memref_slice %arg6[%mul3A_2, %dma_start3A_13] : memref<2048x1024xf32, #tpu.memory_space<hbm>> -> memref<64x1024xf32, #tpu.memory_space<hbm>>
      %dma_start3A_15 = arith.constant 0 : i32
      %dma_start3A_16 = tpu.memref_slice %arg6[%mul3A_2, %dma_start3A_15] : memref<2048x1024xf32, #tpu.memory_space<hbm>> -> memref<64x1024xf32, #tpu.memory_space<hbm>>
      tpu.enqueue_dma source(%arg8 : memref<64x1024xf32, #tpu.memory_space<vmem>>) target(%dma_start3A_16 : memref<64x1024xf32, #tpu.memory_space<hbm>>) target_semaphore(%run_scoped3A : memref<!tpu.dma_semaphore, #tpu.memory_space<semaphore_mem>>)
      %dma_wait3A_17 = arith.constant 0 : i32
      %dma_wait3A_18 = tpu.memref_slice %arg6[%mul3A_2, %dma_wait3A_17] : memref<2048x1024xf32, #tpu.memory_space<hbm>> -> memref<64x1024xf32, #tpu.memory_space<hbm>>
      %dma_wait3A_19 = arith.constant 0 : i32
      %dma_wait3A_20 = tpu.memref_slice %arg6[%mul3A_2, %dma_wait3A_19] : memref<2048x1024xf32, #tpu.memory_space<hbm>> -> memref<64x1024xf32, #tpu.memory_space<hbm>>
      tpu.wait_dma2 semaphore(%run_scoped3A : memref<!tpu.dma_semaphore, #tpu.memory_space<semaphore_mem>>) src(%arg8 : memref<64x1024xf32, #tpu.memory_space<vmem>>) dst(%dma_wait3A_20 : memref<64x1024xf32, #tpu.memory_space<hbm>>)
      tpu.yield
    }) : () -> ()
    return
  }
}

module attributes {stable_mosaic.version = 14 : i64} {
  func.func @_scores_diag_body(%arg0: i32, %arg1: i32, %arg2: memref<1x256x1024xf32, #tpu.memory_space<vmem>>, %arg3: memref<1x2048x1024xf32, #tpu.memory_space<vmem>>, %arg4: memref<1x256x2048xf32, #tpu.memory_space<vmem>>, %arg5: memref<1x1x256x2xf32, #tpu.memory_space<vmem>>) attributes {dimension_semantics = [#tpu.dimension_semantics<arbitrary>, #tpu.dimension_semantics<arbitrary>], iteration_bounds = array<i64: 4, 8>, scalar_prefetch = 0 : i64, scratch_operands = 0 : i64, tpu.core_type = #tpu.core_type<tc>, window_params = [{transform_indices = @transform_0, window_bounds = array<i64: 1, 256, 1024>}, {transform_indices = @transform_1, window_bounds = array<i64: 1, 2048, 1024>}, {transform_indices = @transform_2, window_bounds = array<i64: 1, 256, 2048>}, {transform_indices = @transform_3, window_bounds = array<i64: 1, 1, 256, 2>}]} {
    %get3A = arith.constant 0 : index
    %get3A_0 = arith.constant 0 : index
    %get3A_1 = arith.constant 0 : index
    %get3A_2 = vector.load %arg2[%get3A, %get3A_0, %get3A_1] : memref<1x256x1024xf32, #tpu.memory_space<vmem>>, vector<1x256x1024xf32>
    %get3A_3 = vector.shape_cast %get3A_2 : vector<1x256x1024xf32> to vector<256x1024xf32>
    %get3A_4 = arith.constant 0 : index
    %get3A_5 = arith.constant 0 : index
    %get3A_6 = arith.constant 0 : index
    %get3A_7 = vector.load %arg3[%get3A_4, %get3A_5, %get3A_6] : memref<1x2048x1024xf32, #tpu.memory_space<vmem>>, vector<1x2048x1024xf32>
    %get3A_8 = vector.shape_cast %get3A_7 : vector<1x2048x1024xf32> to vector<2048x1024xf32>
    %dot_general3A = arith.constant dense<0.000000e+00> : vector<256x2048xf32>
    %dot_general3A_9 = tpu.matmul %get3A_3, %get3A_8, %dot_general3A {dimension_numbers = #tpu.dot_dimension_numbers<[1], [1], [0], [0], [0, 0, 1, 0], [], []>, transpose_lhs_hint = false} : vector<256x1024xf32>, vector<2048x1024xf32>, vector<256x2048xf32> -> vector<256x2048xf32>
    %swap3A = arith.constant 0 : index
    %swap3A_10 = arith.constant 0 : index
    %swap3A_11 = arith.constant 0 : index
    %swap3A_12 = vector.load %arg4[%swap3A, %swap3A_10, %swap3A_11] : memref<1x256x2048xf32, #tpu.memory_space<vmem>>, vector<1x256x2048xf32>
    %swap3A_13 = vector.shape_cast %swap3A_12 : vector<1x256x2048xf32> to vector<256x2048xf32>
    %swap3A_14 = vector.shape_cast %dot_general3A_9 : vector<256x2048xf32> to vector<1x256x2048xf32>
    tpu.vector_store %arg4[%swap3A, %swap3A_10, %swap3A_11], %swap3A_14 {strides = array<i32>} : memref<1x256x2048xf32, #tpu.memory_space<vmem>>, vector<1x256x2048xf32>,
    %iota3A = tpu.iota {dimensions = array<i32: 0>} : vector<256x2048xi32>
    %mul3A = arith.constant 256 : i32
    %mul3A_15 = arith.muli %arg1, %mul3A : i32
    %add3A = vector.broadcast %mul3A_15 : i32 to vector<256x2048xi32>
    %add3A_16 = arith.addi %iota3A, %add3A : vector<256x2048xi32>
    %iota3A_17 = tpu.iota {dimensions = array<i32: 1>} : vector<256x2048xi32>
    %reduce_max3A = arith.constant dense<0xFF800000> : vector<256xf32>
    %reduce_max3A_18 = vector.multi_reduction <maximumf>, %dot_general3A_9, %reduce_max3A [1] : vector<256x2048xf32> to vector<256xf32>
    %broadcast_in_dim3A = vector.shape_cast %reduce_max3A_18 : vector<256xf32> to vector<256x1xf32>
    %eq3A = arith.cmpi eq, %add3A_16, %iota3A_17 : vector<256x2048xi32>
    %jit3A = arith.constant -3.000000e+38 : f32
    %broadcast_in_dim3A_19 = vector.broadcast %jit3A : f32 to vector<256x2048xf32>
    %select_n3A = arith.select %eq3A, %dot_general3A_9, %broadcast_in_dim3A_19 : vector<256x2048xi1>, vector<256x2048xf32>
    %reduce_max3A_20 = arith.constant dense<0xFF800000> : vector<256xf32>
    %reduce_max3A_21 = vector.multi_reduction <maximumf>, %select_n3A, %reduce_max3A_20 [1] : vector<256x2048xf32> to vector<256xf32>
    %broadcast_in_dim3A_22 = vector.shape_cast %reduce_max3A_21 : vector<256xf32> to vector<256x1xf32>
    %concatenate3A = tpu.concatenate %broadcast_in_dim3A, %broadcast_in_dim3A_22 in 1 : vector<256x1xf32>, vector<256x1xf32> -> vector<256x2xf32>
    %swap3A_23 = arith.constant 0 : index
    %swap3A_24 = arith.constant 0 : index
    %swap3A_25 = arith.constant 0 : index
    %swap3A_26 = arith.constant 0 : index
    %swap3A_27 = vector.load %arg5[%swap3A_23, %swap3A_24, %swap3A_25, %swap3A_26] : memref<1x1x256x2xf32, #tpu.memory_space<vmem>>, vector<1x1x256x2xf32>
    %swap3A_28 = vector.shape_cast %swap3A_27 : vector<1x1x256x2xf32> to vector<256x2xf32>
    %swap3A_29 = vector.shape_cast %concatenate3A : vector<256x2xf32> to vector<1x1x256x2xf32>
    tpu.vector_store %arg5[%swap3A_23, %swap3A_24, %swap3A_25, %swap3A_26], %swap3A_29 {strides = array<i32>} : memref<1x1x256x2xf32, #tpu.memory_space<vmem>>, vector<1x1x256x2xf32>,
    return
  }
  func.func @transform_0(%arg0: i32, %arg1: i32) -> (i32, i32, i32) {
    %c0_i32 = arith.constant 0 : i32
    %c0_i32_0 = arith.constant 0 : i32
    return %arg0, %arg1, %c0_i32 : i32, i32, i32
  }
  func.func @transform_1(%arg0: i32, %arg1: i32) -> (i32, i32, i32) {
    %c0_i32 = arith.constant 0 : i32
    %c0_i32_0 = arith.constant 0 : i32
    %c0_i32_1 = arith.constant 0 : i32
    return %arg0, %c0_i32, %c0_i32_0 : i32, i32, i32
  }
  func.func @transform_2(%arg0: i32, %arg1: i32) -> (i32, i32, i32) {
    %c0_i32 = arith.constant 0 : i32
    %c0_i32_0 = arith.constant 0 : i32
    return %arg0, %arg1, %c0_i32 : i32, i32, i32
  }
  func.func @transform_3(%arg0: i32, %arg1: i32) -> (i32, i32, i32, i32) {
    %c0_i32 = arith.constant 0 : i32
    %c0_i32_0 = arith.constant 0 : i32
    %c0_i32_1 = arith.constant 0 : i32
    return %arg0, %arg1, %c0_i32, %c0_i32_0 : i32, i32, i32, i32
  }
}

module attributes {stable_mosaic.version = 14 : i64} {
  func.func @_topk_diag_body(%arg0: i32, %arg1: memref<1x1x2048xf32, #tpu.memory_space<vmem>>, %arg2: memref<1x1x2048xf32, #tpu.memory_space<vmem>>, %arg3: memref<1x1x2048xf32, #tpu.memory_space<vmem>>, %arg4: memref<1x512x1xi32, #tpu.memory_space<vmem>>) attributes {dimension_semantics = [#tpu.dimension_semantics<arbitrary>], iteration_bounds = array<i64: 4>, scalar_prefetch = 0 : i64, scratch_operands = 0 : i64, tpu.core_type = #tpu.core_type<tc>, window_params = [{transform_indices = @transform_0, window_bounds = array<i64: 1, 1, 2048>}, {transform_indices = @transform_1, window_bounds = array<i64: 1, 1, 2048>}, {transform_indices = @transform_2, window_bounds = array<i64: 1, 1, 2048>}, {transform_indices = @transform_3, window_bounds = array<i64: 1, 512, 1>}]} {
    %get3A = arith.constant 0 : index
    %get3A_0 = arith.constant 0 : index
    %get3A_1 = arith.constant 0 : index
    %get3A_2 = vector.load %arg2[%get3A, %get3A_0, %get3A_1] : memref<1x1x2048xf32, #tpu.memory_space<vmem>>, vector<1x1x2048xf32>
    %get3A_3 = vector.shape_cast %get3A_2 : vector<1x1x2048xf32> to vector<1x2048xf32>
    %get3A_4 = arith.constant 0 : index
    %get3A_5 = arith.constant 0 : index
    %get3A_6 = arith.constant 0 : index
    %get3A_7 = vector.load %arg1[%get3A_4, %get3A_5, %get3A_6] : memref<1x1x2048xf32, #tpu.memory_space<vmem>>, vector<1x1x2048xf32>
    %get3A_8 = vector.shape_cast %get3A_7 : vector<1x1x2048xf32> to vector<1x2048xf32>
    %sub3A = arith.subf %get3A_3, %get3A_8 : vector<1x2048xf32>
    %exp3A = math.exp %sub3A : vector<1x2048xf32>
    %get3A_9 = arith.constant 0 : index
    %get3A_10 = arith.constant 0 : index
    %get3A_11 = arith.constant 0 : index
    %get3A_12 = vector.load %arg3[%get3A_9, %get3A_10, %get3A_11] : memref<1x1x2048xf32, #tpu.memory_space<vmem>>, vector<1x1x2048xf32>
    %get3A_13 = vector.shape_cast %get3A_12 : vector<1x1x2048xf32> to vector<1x2048xf32>
    %div3A = arith.divf %exp3A, %get3A_13 : vector<1x2048xf32>
    %bitcast_convert_type3A = tpu.bitcast %div3A : vector<1x2048xf32> -> vector<1x2048xi32>
    %broadcast_in_dim3A = arith.constant 0 : i32
    %broadcast_in_dim3A_14 = vector.broadcast %broadcast_in_dim3A : i32 to vector<1x1xi32>
    %broadcast_in_dim3A_15 = arith.constant 512 : i32
    %broadcast_in_dim3A_16 = vector.broadcast %broadcast_in_dim3A_15 : i32 to vector<1x1xi32>
    %scan3A = arith.constant 0 : i32
    %scan3A_17 = arith.constant 31 : i32
    %scan3A_18 = arith.addi %scan3A, %scan3A_17 : i32
    %scan3A_19 = arith.constant 1 : i32
    %scan3A_20:2 = scf.for %scan3A_268 = %scan3A to %scan3A_18 step %scan3A_19 iter_args(%scan3A_269 = %broadcast_in_dim3A_14, %scan3A_270 = %broadcast_in_dim3A_16) -> (vector<1x1xi32>, vector<1x1xi32>)  : i32 {
      %sub3A_271 = arith.constant 30 : i32
      %sub3A_272 = arith.subi %sub3A_271, %scan3A_268 : i32
      %shift_left3A = arith.constant 1 : i32
      %shift_left3A_273 = arith.shli %shift_left3A, %sub3A_272 : i32
      %or3A_274 = vector.broadcast %shift_left3A_273 : i32 to vector<1x1xi32>
      %or3A_275 = arith.ori %scan3A_269, %or3A_274 : vector<1x1xi32>
      %shift_right_arithmetic3A = vector.broadcast %sub3A_272 : i32 to vector<1x2048xi32>
      %shift_right_arithmetic3A_276 = arith.shrsi %bitcast_convert_type3A, %shift_right_arithmetic3A : vector<1x2048xi32>
      %shift_right_arithmetic3A_277 = vector.broadcast %sub3A_272 : i32 to vector<1x1xi32>
      %shift_right_arithmetic3A_278 = arith.shrsi %or3A_275, %shift_right_arithmetic3A_277 : vector<1x1xi32>
      %eq3A_279 = vector.broadcast %shift_right_arithmetic3A_278 : vector<1x1xi32> to vector<1x2048xi32>
      %eq3A_280 = arith.cmpi eq, %shift_right_arithmetic3A_276, %eq3A_279 : vector<1x2048xi32>
      %convert_element_type3A_281 = arith.extui %eq3A_280 : vector<1x2048xi1> to vector<1x2048xi32>
      %reduce_sum3A_282 = arith.constant dense<0> : vector<1xi32>
      %reduce_sum3A_283 = vector.multi_reduction <add>, %convert_element_type3A_281, %reduce_sum3A_282 [1] : vector<1x2048xi32> to vector<1xi32>
      %broadcast_in_dim3A_284 = vector.shape_cast %reduce_sum3A_283 : vector<1xi32> to vector<1x1xi32>
      %ge3A_285 = arith.cmpi sge, %broadcast_in_dim3A_284, %scan3A_270 : vector<1x1xi32>
      %select_n3A_286 = arith.select %ge3A_285, %or3A_275, %scan3A_269 : vector<1x1xi1>, vector<1x1xi32>
      %sub3A_287 = arith.subi %scan3A_270, %broadcast_in_dim3A_284 : vector<1x1xi32>
      %select_n3A_288 = arith.select %ge3A_285, %scan3A_270, %sub3A_287 : vector<1x1xi1>, vector<1x1xi32>
      scf.yield %select_n3A_286, %select_n3A_288 : vector<1x1xi32>, vector<1x1xi32>
    }
    %scan3A_21 = arith.constant 31 : i32
    %gt3A = vector.broadcast %scan3A_20#0 : vector<1x1xi32> to vector<1x2048xi32>
    %gt3A_22 = arith.cmpi sgt, %bitcast_convert_type3A, %gt3A : vector<1x2048xi32>
    %eq3A = vector.broadcast %scan3A_20#0 : vector<1x1xi32> to vector<1x2048xi32>
    %eq3A_23 = arith.cmpi eq, %bitcast_convert_type3A, %eq3A : vector<1x2048xi32>
    %convert_element_type3A = arith.extui %eq3A_23 : vector<1x2048xi1> to vector<1x2048xi32>
    %iota3A = tpu.iota {dimensions = array<i32: 1>} : vector<1x2048xi32>
    %ge3A = arith.constant 1 : i32
    %ge3A_24 = vector.broadcast %ge3A : i32 to vector<1x2048xi32>
    %ge3A_25 = arith.cmpi sge, %iota3A, %ge3A_24 : vector<1x2048xi32>
    %slice3A = vector.extract_strided_slice %convert_element_type3A {offsets = [0, 2047], sizes = [1, 1], strides = [1, 1]} : vector<1x2048xi32> to vector<1x1xi32>
    %slice3A_26 = vector.extract_strided_slice %convert_element_type3A {offsets = [0, 0], sizes = [1, 2047], strides = [1, 1]} : vector<1x2048xi32> to vector<1x2047xi32>
    %concatenate3A = tpu.concatenate %slice3A, %slice3A_26 in 1 : vector<1x1xi32>, vector<1x2047xi32> -> vector<1x2048xi32>
    %jit3A = arith.constant 0 : i32
    %broadcast_in_dim3A_27 = vector.broadcast %jit3A : i32 to vector<1x2048xi32>
    %select_n3A = arith.select %ge3A_25, %concatenate3A, %broadcast_in_dim3A_27 : vector<1x2048xi1>, vector<1x2048xi32>
    %add3A = arith.addi %convert_element_type3A, %select_n3A : vector<1x2048xi32>
    %ge3A_28 = arith.constant 2 : i32
    %ge3A_29 = vector.broadcast %ge3A_28 : i32 to vector<1x2048xi32>
    %ge3A_30 = arith.cmpi sge, %iota3A, %ge3A_29 : vector<1x2048xi32>
    %slice3A_31 = vector.extract_strided_slice %add3A {offsets = [0, 2046], sizes = [1, 2], strides = [1, 1]} : vector<1x2048xi32> to vector<1x2xi32>
    %slice3A_32 = vector.extract_strided_slice %add3A {offsets = [0, 0], sizes = [1, 2046], strides = [1, 1]} : vector<1x2048xi32> to vector<1x2046xi32>
    %concatenate3A_33 = tpu.concatenate %slice3A_31, %slice3A_32 in 1 : vector<1x2xi32>, vector<1x2046xi32> -> vector<1x2048xi32>
    %jit3A_34 = arith.constant 0 : i32
    %broadcast_in_dim3A_35 = vector.broadcast %jit3A_34 : i32 to vector<1x2048xi32>
    %select_n3A_36 = arith.select %ge3A_30, %concatenate3A_33, %broadcast_in_dim3A_35 : vector<1x2048xi1>, vector<1x2048xi32>
    %add3A_37 = arith.addi %add3A, %select_n3A_36 : vector<1x2048xi32>
    %ge3A_38 = arith.constant 4 : i32
    %ge3A_39 = vector.broadcast %ge3A_38 : i32 to vector<1x2048xi32>
    %ge3A_40 = arith.cmpi sge, %iota3A, %ge3A_39 : vector<1x2048xi32>
    %slice3A_41 = vector.extract_strided_slice %add3A_37 {offsets = [0, 2044], sizes = [1, 4], strides = [1, 1]} : vector<1x2048xi32> to vector<1x4xi32>
    %slice3A_42 = vector.extract_strided_slice %add3A_37 {offsets = [0, 0], sizes = [1, 2044], strides = [1, 1]} : vector<1x2048xi32> to vector<1x2044xi32>
    %concatenate3A_43 = tpu.concatenate %slice3A_41, %slice3A_42 in 1 : vector<1x4xi32>, vector<1x2044xi32> -> vector<1x2048xi32>
    %jit3A_44 = arith.constant 0 : i32
    %broadcast_in_dim3A_45 = vector.broadcast %jit3A_44 : i32 to vector<1x2048xi32>
    %select_n3A_46 = arith.select %ge3A_40, %concatenate3A_43, %broadcast_in_dim3A_45 : vector<1x2048xi1>, vector<1x2048xi32>
    %add3A_47 = arith.addi %add3A_37, %select_n3A_46 : vector<1x2048xi32>
    %ge3A_48 = arith.constant 8 : i32
    %ge3A_49 = vector.broadcast %ge3A_48 : i32 to vector<1x2048xi32>
    %ge3A_50 = arith.cmpi sge, %iota3A, %ge3A_49 : vector<1x2048xi32>
    %slice3A_51 = vector.extract_strided_slice %add3A_47 {offsets = [0, 2040], sizes = [1, 8], strides = [1, 1]} : vector<1x2048xi32> to vector<1x8xi32>
    %slice3A_52 = vector.extract_strided_slice %add3A_47 {offsets = [0, 0], sizes = [1, 2040], strides = [1, 1]} : vector<1x2048xi32> to vector<1x2040xi32>
    %concatenate3A_53 = tpu.concatenate %slice3A_51, %slice3A_52 in 1 : vector<1x8xi32>, vector<1x2040xi32> -> vector<1x2048xi32>
    %jit3A_54 = arith.constant 0 : i32
    %broadcast_in_dim3A_55 = vector.broadcast %jit3A_54 : i32 to vector<1x2048xi32>
    %select_n3A_56 = arith.select %ge3A_50, %concatenate3A_53, %broadcast_in_dim3A_55 : vector<1x2048xi1>, vector<1x2048xi32>
    %add3A_57 = arith.addi %add3A_47, %select_n3A_56 : vector<1x2048xi32>
    %ge3A_58 = arith.constant 16 : i32
    %ge3A_59 = vector.broadcast %ge3A_58 : i32 to vector<1x2048xi32>
    %ge3A_60 = arith.cmpi sge, %iota3A, %ge3A_59 : vector<1x2048xi32>
    %slice3A_61 = vector.extract_strided_slice %add3A_57 {offsets = [0, 2032], sizes = [1, 16], strides = [1, 1]} : vector<1x2048xi32> to vector<1x16xi32>
    %slice3A_62 = vector.extract_strided_slice %add3A_57 {offsets = [0, 0], sizes = [1, 2032], strides = [1, 1]} : vector<1x2048xi32> to vector<1x2032xi32>
    %concatenate3A_63 = tpu.concatenate %slice3A_61, %slice3A_62 in 1 : vector<1x16xi32>, vector<1x2032xi32> -> vector<1x2048xi32>
    %jit3A_64 = arith.constant 0 : i32
    %broadcast_in_dim3A_65 = vector.broadcast %jit3A_64 : i32 to vector<1x2048xi32>
    %select_n3A_66 = arith.select %ge3A_60, %concatenate3A_63, %broadcast_in_dim3A_65 : vector<1x2048xi1>, vector<1x2048xi32>
    %add3A_67 = arith.addi %add3A_57, %select_n3A_66 : vector<1x2048xi32>
    %ge3A_68 = arith.constant 32 : i32
    %ge3A_69 = vector.broadcast %ge3A_68 : i32 to vector<1x2048xi32>
    %ge3A_70 = arith.cmpi sge, %iota3A, %ge3A_69 : vector<1x2048xi32>
    %slice3A_71 = vector.extract_strided_slice %add3A_67 {offsets = [0, 2016], sizes = [1, 32], strides = [1, 1]} : vector<1x2048xi32> to vector<1x32xi32>
    %slice3A_72 = vector.extract_strided_slice %add3A_67 {offsets = [0, 0], sizes = [1, 2016], strides = [1, 1]} : vector<1x2048xi32> to vector<1x2016xi32>
    %concatenate3A_73 = tpu.concatenate %slice3A_71, %slice3A_72 in 1 : vector<1x32xi32>, vector<1x2016xi32> -> vector<1x2048xi32>
    %jit3A_74 = arith.constant 0 : i32
    %broadcast_in_dim3A_75 = vector.broadcast %jit3A_74 : i32 to vector<1x2048xi32>
    %select_n3A_76 = arith.select %ge3A_70, %concatenate3A_73, %broadcast_in_dim3A_75 : vector<1x2048xi1>, vector<1x2048xi32>
    %add3A_77 = arith.addi %add3A_67, %select_n3A_76 : vector<1x2048xi32>
    %ge3A_78 = arith.constant 64 : i32
    %ge3A_79 = vector.broadcast %ge3A_78 : i32 to vector<1x2048xi32>
    %ge3A_80 = arith.cmpi sge, %iota3A, %ge3A_79 : vector<1x2048xi32>
    %slice3A_81 = vector.extract_strided_slice %add3A_77 {offsets = [0, 1984], sizes = [1, 64], strides = [1, 1]} : vector<1x2048xi32> to vector<1x64xi32>
    %slice3A_82 = vector.extract_strided_slice %add3A_77 {offsets = [0, 0], sizes = [1, 1984], strides = [1, 1]} : vector<1x2048xi32> to vector<1x1984xi32>
    %concatenate3A_83 = tpu.concatenate %slice3A_81, %slice3A_82 in 1 : vector<1x64xi32>, vector<1x1984xi32> -> vector<1x2048xi32>
    %jit3A_84 = arith.constant 0 : i32
    %broadcast_in_dim3A_85 = vector.broadcast %jit3A_84 : i32 to vector<1x2048xi32>
    %select_n3A_86 = arith.select %ge3A_80, %concatenate3A_83, %broadcast_in_dim3A_85 : vector<1x2048xi1>, vector<1x2048xi32>
    %add3A_87 = arith.addi %add3A_77, %select_n3A_86 : vector<1x2048xi32>
    %ge3A_88 = arith.constant 128 : i32
    %ge3A_89 = vector.broadcast %ge3A_88 : i32 to vector<1x2048xi32>
    %ge3A_90 = arith.cmpi sge, %iota3A, %ge3A_89 : vector<1x2048xi32>
    %slice3A_91 = vector.extract_strided_slice %add3A_87 {offsets = [0, 1920], sizes = [1, 128], strides = [1, 1]} : vector<1x2048xi32> to vector<1x128xi32>
    %slice3A_92 = vector.extract_strided_slice %add3A_87 {offsets = [0, 0], sizes = [1, 1920], strides = [1, 1]} : vector<1x2048xi32> to vector<1x1920xi32>
    %concatenate3A_93 = tpu.concatenate %slice3A_91, %slice3A_92 in 1 : vector<1x128xi32>, vector<1x1920xi32> -> vector<1x2048xi32>
    %jit3A_94 = arith.constant 0 : i32
    %broadcast_in_dim3A_95 = vector.broadcast %jit3A_94 : i32 to vector<1x2048xi32>
    %select_n3A_96 = arith.select %ge3A_90, %concatenate3A_93, %broadcast_in_dim3A_95 : vector<1x2048xi1>, vector<1x2048xi32>
    %add3A_97 = arith.addi %add3A_87, %select_n3A_96 : vector<1x2048xi32>
    %ge3A_98 = arith.constant 256 : i32
    %ge3A_99 = vector.broadcast %ge3A_98 : i32 to vector<1x2048xi32>
    %ge3A_100 = arith.cmpi sge, %iota3A, %ge3A_99 : vector<1x2048xi32>
    %slice3A_101 = vector.extract_strided_slice %add3A_97 {offsets = [0, 1792], sizes = [1, 256], strides = [1, 1]} : vector<1x2048xi32> to vector<1x256xi32>
    %slice3A_102 = vector.extract_strided_slice %add3A_97 {offsets = [0, 0], sizes = [1, 1792], strides = [1, 1]} : vector<1x2048xi32> to vector<1x1792xi32>
    %concatenate3A_103 = tpu.concatenate %slice3A_101, %slice3A_102 in 1 : vector<1x256xi32>, vector<1x1792xi32> -> vector<1x2048xi32>
    %jit3A_104 = arith.constant 0 : i32
    %broadcast_in_dim3A_105 = vector.broadcast %jit3A_104 : i32 to vector<1x2048xi32>
    %select_n3A_106 = arith.select %ge3A_100, %concatenate3A_103, %broadcast_in_dim3A_105 : vector<1x2048xi1>, vector<1x2048xi32>
    %add3A_107 = arith.addi %add3A_97, %select_n3A_106 : vector<1x2048xi32>
    %ge3A_108 = arith.constant 512 : i32
    %ge3A_109 = vector.broadcast %ge3A_108 : i32 to vector<1x2048xi32>
    %ge3A_110 = arith.cmpi sge, %iota3A, %ge3A_109 : vector<1x2048xi32>
    %slice3A_111 = vector.extract_strided_slice %add3A_107 {offsets = [0, 1536], sizes = [1, 512], strides = [1, 1]} : vector<1x2048xi32> to vector<1x512xi32>
    %slice3A_112 = vector.extract_strided_slice %add3A_107 {offsets = [0, 0], sizes = [1, 1536], strides = [1, 1]} : vector<1x2048xi32> to vector<1x1536xi32>
    %concatenate3A_113 = tpu.concatenate %slice3A_111, %slice3A_112 in 1 : vector<1x512xi32>, vector<1x1536xi32> -> vector<1x2048xi32>
    %jit3A_114 = arith.constant 0 : i32
    %broadcast_in_dim3A_115 = vector.broadcast %jit3A_114 : i32 to vector<1x2048xi32>
    %select_n3A_116 = arith.select %ge3A_110, %concatenate3A_113, %broadcast_in_dim3A_115 : vector<1x2048xi1>, vector<1x2048xi32>
    %add3A_117 = arith.addi %add3A_107, %select_n3A_116 : vector<1x2048xi32>
    %ge3A_118 = arith.constant 1024 : i32
    %ge3A_119 = vector.broadcast %ge3A_118 : i32 to vector<1x2048xi32>
    %ge3A_120 = arith.cmpi sge, %iota3A, %ge3A_119 : vector<1x2048xi32>
    %slice3A_121 = vector.extract_strided_slice %add3A_117 {offsets = [0, 1024], sizes = [1, 1024], strides = [1, 1]} : vector<1x2048xi32> to vector<1x1024xi32>
    %slice3A_122 = vector.extract_strided_slice %add3A_117 {offsets = [0, 0], sizes = [1, 1024], strides = [1, 1]} : vector<1x2048xi32> to vector<1x1024xi32>
    %concatenate3A_123 = tpu.concatenate %slice3A_121, %slice3A_122 in 1 : vector<1x1024xi32>, vector<1x1024xi32> -> vector<1x2048xi32>
    %jit3A_124 = arith.constant 0 : i32
    %broadcast_in_dim3A_125 = vector.broadcast %jit3A_124 : i32 to vector<1x2048xi32>
    %select_n3A_126 = arith.select %ge3A_120, %concatenate3A_123, %broadcast_in_dim3A_125 : vector<1x2048xi1>, vector<1x2048xi32>
    %add3A_127 = arith.addi %add3A_117, %select_n3A_126 : vector<1x2048xi32>
    %convert_element_type3A_128 = arith.extui %eq3A_23 : vector<1x2048xi1> to vector<1x2048xi32>
    %sub3A_129 = arith.subi %add3A_127, %convert_element_type3A_128 : vector<1x2048xi32>
    %convert_element_type3A_130 = arith.extui %gt3A_22 : vector<1x2048xi1> to vector<1x2048xi32>
    %reduce_sum3A = arith.constant dense<0> : vector<1xi32>
    %reduce_sum3A_131 = vector.multi_reduction <add>, %convert_element_type3A_130, %reduce_sum3A [1] : vector<1x2048xi32> to vector<1xi32>
    %broadcast_in_dim3A_132 = vector.shape_cast %reduce_sum3A_131 : vector<1xi32> to vector<1x1xi32>
    %sub3A_133 = arith.constant 512 : i32
    %sub3A_134 = vector.broadcast %sub3A_133 : i32 to vector<1x1xi32>
    %sub3A_135 = arith.subi %sub3A_134, %broadcast_in_dim3A_132 : vector<1x1xi32>
    %lt3A = vector.broadcast %sub3A_135 : vector<1x1xi32> to vector<1x2048xi32>
    %lt3A_136 = arith.cmpi slt, %sub3A_129, %lt3A : vector<1x2048xi32>
    %and3A = arith.andi %eq3A_23, %lt3A_136 : vector<1x2048xi1>
    %or3A = arith.ori %gt3A_22, %and3A : vector<1x2048xi1>
    %convert_element_type3A_137 = arith.extui %or3A : vector<1x2048xi1> to vector<1x2048xi32>
    %iota3A_138 = tpu.iota {dimensions = array<i32: 1>} : vector<1x2048xi32>
    %ge3A_139 = arith.constant 1 : i32
    %ge3A_140 = vector.broadcast %ge3A_139 : i32 to vector<1x2048xi32>
    %ge3A_141 = arith.cmpi sge, %iota3A_138, %ge3A_140 : vector<1x2048xi32>
    %slice3A_142 = vector.extract_strided_slice %convert_element_type3A_137 {offsets = [0, 2047], sizes = [1, 1], strides = [1, 1]} : vector<1x2048xi32> to vector<1x1xi32>
    %slice3A_143 = vector.extract_strided_slice %convert_element_type3A_137 {offsets = [0, 0], sizes = [1, 2047], strides = [1, 1]} : vector<1x2048xi32> to vector<1x2047xi32>
    %concatenate3A_144 = tpu.concatenate %slice3A_142, %slice3A_143 in 1 : vector<1x1xi32>, vector<1x2047xi32> -> vector<1x2048xi32>
    %jit3A_145 = arith.constant 0 : i32
    %broadcast_in_dim3A_146 = vector.broadcast %jit3A_145 : i32 to vector<1x2048xi32>
    %select_n3A_147 = arith.select %ge3A_141, %concatenate3A_144, %broadcast_in_dim3A_146 : vector<1x2048xi1>, vector<1x2048xi32>
    %add3A_148 = arith.addi %convert_element_type3A_137, %select_n3A_147 : vector<1x2048xi32>
    %ge3A_149 = arith.constant 2 : i32
    %ge3A_150 = vector.broadcast %ge3A_149 : i32 to vector<1x2048xi32>
    %ge3A_151 = arith.cmpi sge, %iota3A_138, %ge3A_150 : vector<1x2048xi32>
    %slice3A_152 = vector.extract_strided_slice %add3A_148 {offsets = [0, 2046], sizes = [1, 2], strides = [1, 1]} : vector<1x2048xi32> to vector<1x2xi32>
    %slice3A_153 = vector.extract_strided_slice %add3A_148 {offsets = [0, 0], sizes = [1, 2046], strides = [1, 1]} : vector<1x2048xi32> to vector<1x2046xi32>
    %concatenate3A_154 = tpu.concatenate %slice3A_152, %slice3A_153 in 1 : vector<1x2xi32>, vector<1x2046xi32> -> vector<1x2048xi32>
    %jit3A_155 = arith.constant 0 : i32
    %broadcast_in_dim3A_156 = vector.broadcast %jit3A_155 : i32 to vector<1x2048xi32>
    %select_n3A_157 = arith.select %ge3A_151, %concatenate3A_154, %broadcast_in_dim3A_156 : vector<1x2048xi1>, vector<1x2048xi32>
    %add3A_158 = arith.addi %add3A_148, %select_n3A_157 : vector<1x2048xi32>
    %ge3A_159 = arith.constant 4 : i32
    %ge3A_160 = vector.broadcast %ge3A_159 : i32 to vector<1x2048xi32>
    %ge3A_161 = arith.cmpi sge, %iota3A_138, %ge3A_160 : vector<1x2048xi32>
    %slice3A_162 = vector.extract_strided_slice %add3A_158 {offsets = [0, 2044], sizes = [1, 4], strides = [1, 1]} : vector<1x2048xi32> to vector<1x4xi32>
    %slice3A_163 = vector.extract_strided_slice %add3A_158 {offsets = [0, 0], sizes = [1, 2044], strides = [1, 1]} : vector<1x2048xi32> to vector<1x2044xi32>
    %concatenate3A_164 = tpu.concatenate %slice3A_162, %slice3A_163 in 1 : vector<1x4xi32>, vector<1x2044xi32> -> vector<1x2048xi32>
    %jit3A_165 = arith.constant 0 : i32
    %broadcast_in_dim3A_166 = vector.broadcast %jit3A_165 : i32 to vector<1x2048xi32>
    %select_n3A_167 = arith.select %ge3A_161, %concatenate3A_164, %broadcast_in_dim3A_166 : vector<1x2048xi1>, vector<1x2048xi32>
    %add3A_168 = arith.addi %add3A_158, %select_n3A_167 : vector<1x2048xi32>
    %ge3A_169 = arith.constant 8 : i32
    %ge3A_170 = vector.broadcast %ge3A_169 : i32 to vector<1x2048xi32>
    %ge3A_171 = arith.cmpi sge, %iota3A_138, %ge3A_170 : vector<1x2048xi32>
    %slice3A_172 = vector.extract_strided_slice %add3A_168 {offsets = [0, 2040], sizes = [1, 8], strides = [1, 1]} : vector<1x2048xi32> to vector<1x8xi32>
    %slice3A_173 = vector.extract_strided_slice %add3A_168 {offsets = [0, 0], sizes = [1, 2040], strides = [1, 1]} : vector<1x2048xi32> to vector<1x2040xi32>
    %concatenate3A_174 = tpu.concatenate %slice3A_172, %slice3A_173 in 1 : vector<1x8xi32>, vector<1x2040xi32> -> vector<1x2048xi32>
    %jit3A_175 = arith.constant 0 : i32
    %broadcast_in_dim3A_176 = vector.broadcast %jit3A_175 : i32 to vector<1x2048xi32>
    %select_n3A_177 = arith.select %ge3A_171, %concatenate3A_174, %broadcast_in_dim3A_176 : vector<1x2048xi1>, vector<1x2048xi32>
    %add3A_178 = arith.addi %add3A_168, %select_n3A_177 : vector<1x2048xi32>
    %ge3A_179 = arith.constant 16 : i32
    %ge3A_180 = vector.broadcast %ge3A_179 : i32 to vector<1x2048xi32>
    %ge3A_181 = arith.cmpi sge, %iota3A_138, %ge3A_180 : vector<1x2048xi32>
    %slice3A_182 = vector.extract_strided_slice %add3A_178 {offsets = [0, 2032], sizes = [1, 16], strides = [1, 1]} : vector<1x2048xi32> to vector<1x16xi32>
    %slice3A_183 = vector.extract_strided_slice %add3A_178 {offsets = [0, 0], sizes = [1, 2032], strides = [1, 1]} : vector<1x2048xi32> to vector<1x2032xi32>
    %concatenate3A_184 = tpu.concatenate %slice3A_182, %slice3A_183 in 1 : vector<1x16xi32>, vector<1x2032xi32> -> vector<1x2048xi32>
    %jit3A_185 = arith.constant 0 : i32
    %broadcast_in_dim3A_186 = vector.broadcast %jit3A_185 : i32 to vector<1x2048xi32>
    %select_n3A_187 = arith.select %ge3A_181, %concatenate3A_184, %broadcast_in_dim3A_186 : vector<1x2048xi1>, vector<1x2048xi32>
    %add3A_188 = arith.addi %add3A_178, %select_n3A_187 : vector<1x2048xi32>
    %ge3A_189 = arith.constant 32 : i32
    %ge3A_190 = vector.broadcast %ge3A_189 : i32 to vector<1x2048xi32>
    %ge3A_191 = arith.cmpi sge, %iota3A_138, %ge3A_190 : vector<1x2048xi32>
    %slice3A_192 = vector.extract_strided_slice %add3A_188 {offsets = [0, 2016], sizes = [1, 32], strides = [1, 1]} : vector<1x2048xi32> to vector<1x32xi32>
    %slice3A_193 = vector.extract_strided_slice %add3A_188 {offsets = [0, 0], sizes = [1, 2016], strides = [1, 1]} : vector<1x2048xi32> to vector<1x2016xi32>
    %concatenate3A_194 = tpu.concatenate %slice3A_192, %slice3A_193 in 1 : vector<1x32xi32>, vector<1x2016xi32> -> vector<1x2048xi32>
    %jit3A_195 = arith.constant 0 : i32
    %broadcast_in_dim3A_196 = vector.broadcast %jit3A_195 : i32 to vector<1x2048xi32>
    %select_n3A_197 = arith.select %ge3A_191, %concatenate3A_194, %broadcast_in_dim3A_196 : vector<1x2048xi1>, vector<1x2048xi32>
    %add3A_198 = arith.addi %add3A_188, %select_n3A_197 : vector<1x2048xi32>
    %ge3A_199 = arith.constant 64 : i32
    %ge3A_200 = vector.broadcast %ge3A_199 : i32 to vector<1x2048xi32>
    %ge3A_201 = arith.cmpi sge, %iota3A_138, %ge3A_200 : vector<1x2048xi32>
    %slice3A_202 = vector.extract_strided_slice %add3A_198 {offsets = [0, 1984], sizes = [1, 64], strides = [1, 1]} : vector<1x2048xi32> to vector<1x64xi32>
    %slice3A_203 = vector.extract_strided_slice %add3A_198 {offsets = [0, 0], sizes = [1, 1984], strides = [1, 1]} : vector<1x2048xi32> to vector<1x1984xi32>
    %concatenate3A_204 = tpu.concatenate %slice3A_202, %slice3A_203 in 1 : vector<1x64xi32>, vector<1x1984xi32> -> vector<1x2048xi32>
    %jit3A_205 = arith.constant 0 : i32
    %broadcast_in_dim3A_206 = vector.broadcast %jit3A_205 : i32 to vector<1x2048xi32>
    %select_n3A_207 = arith.select %ge3A_201, %concatenate3A_204, %broadcast_in_dim3A_206 : vector<1x2048xi1>, vector<1x2048xi32>
    %add3A_208 = arith.addi %add3A_198, %select_n3A_207 : vector<1x2048xi32>
    %ge3A_209 = arith.constant 128 : i32
    %ge3A_210 = vector.broadcast %ge3A_209 : i32 to vector<1x2048xi32>
    %ge3A_211 = arith.cmpi sge, %iota3A_138, %ge3A_210 : vector<1x2048xi32>
    %slice3A_212 = vector.extract_strided_slice %add3A_208 {offsets = [0, 1920], sizes = [1, 128], strides = [1, 1]} : vector<1x2048xi32> to vector<1x128xi32>
    %slice3A_213 = vector.extract_strided_slice %add3A_208 {offsets = [0, 0], sizes = [1, 1920], strides = [1, 1]} : vector<1x2048xi32> to vector<1x1920xi32>
    %concatenate3A_214 = tpu.concatenate %slice3A_212, %slice3A_213 in 1 : vector<1x128xi32>, vector<1x1920xi32> -> vector<1x2048xi32>
    %jit3A_215 = arith.constant 0 : i32
    %broadcast_in_dim3A_216 = vector.broadcast %jit3A_215 : i32 to vector<1x2048xi32>
    %select_n3A_217 = arith.select %ge3A_211, %concatenate3A_214, %broadcast_in_dim3A_216 : vector<1x2048xi1>, vector<1x2048xi32>
    %add3A_218 = arith.addi %add3A_208, %select_n3A_217 : vector<1x2048xi32>
    %ge3A_219 = arith.constant 256 : i32
    %ge3A_220 = vector.broadcast %ge3A_219 : i32 to vector<1x2048xi32>
    %ge3A_221 = arith.cmpi sge, %iota3A_138, %ge3A_220 : vector<1x2048xi32>
    %slice3A_222 = vector.extract_strided_slice %add3A_218 {offsets = [0, 1792], sizes = [1, 256], strides = [1, 1]} : vector<1x2048xi32> to vector<1x256xi32>
    %slice3A_223 = vector.extract_strided_slice %add3A_218 {offsets = [0, 0], sizes = [1, 1792], strides = [1, 1]} : vector<1x2048xi32> to vector<1x1792xi32>
    %concatenate3A_224 = tpu.concatenate %slice3A_222, %slice3A_223 in 1 : vector<1x256xi32>, vector<1x1792xi32> -> vector<1x2048xi32>
    %jit3A_225 = arith.constant 0 : i32
    %broadcast_in_dim3A_226 = vector.broadcast %jit3A_225 : i32 to vector<1x2048xi32>
    %select_n3A_227 = arith.select %ge3A_221, %concatenate3A_224, %broadcast_in_dim3A_226 : vector<1x2048xi1>, vector<1x2048xi32>
    %add3A_228 = arith.addi %add3A_218, %select_n3A_227 : vector<1x2048xi32>
    %ge3A_229 = arith.constant 512 : i32
    %ge3A_230 = vector.broadcast %ge3A_229 : i32 to vector<1x2048xi32>
    %ge3A_231 = arith.cmpi sge, %iota3A_138, %ge3A_230 : vector<1x2048xi32>
    %slice3A_232 = vector.extract_strided_slice %add3A_228 {offsets = [0, 1536], sizes = [1, 512], strides = [1, 1]} : vector<1x2048xi32> to vector<1x512xi32>
    %slice3A_233 = vector.extract_strided_slice %add3A_228 {offsets = [0, 0], sizes = [1, 1536], strides = [1, 1]} : vector<1x2048xi32> to vector<1x1536xi32>
    %concatenate3A_234 = tpu.concatenate %slice3A_232, %slice3A_233 in 1 : vector<1x512xi32>, vector<1x1536xi32> -> vector<1x2048xi32>
    %jit3A_235 = arith.constant 0 : i32
    %broadcast_in_dim3A_236 = vector.broadcast %jit3A_235 : i32 to vector<1x2048xi32>
    %select_n3A_237 = arith.select %ge3A_231, %concatenate3A_234, %broadcast_in_dim3A_236 : vector<1x2048xi1>, vector<1x2048xi32>
    %add3A_238 = arith.addi %add3A_228, %select_n3A_237 : vector<1x2048xi32>
    %ge3A_239 = arith.constant 1024 : i32
    %ge3A_240 = vector.broadcast %ge3A_239 : i32 to vector<1x2048xi32>
    %ge3A_241 = arith.cmpi sge, %iota3A_138, %ge3A_240 : vector<1x2048xi32>
    %slice3A_242 = vector.extract_strided_slice %add3A_238 {offsets = [0, 1024], sizes = [1, 1024], strides = [1, 1]} : vector<1x2048xi32> to vector<1x1024xi32>
    %slice3A_243 = vector.extract_strided_slice %add3A_238 {offsets = [0, 0], sizes = [1, 1024], strides = [1, 1]} : vector<1x2048xi32> to vector<1x1024xi32>
    %concatenate3A_244 = tpu.concatenate %slice3A_242, %slice3A_243 in 1 : vector<1x1024xi32>, vector<1x1024xi32> -> vector<1x2048xi32>
    %jit3A_245 = arith.constant 0 : i32
    %broadcast_in_dim3A_246 = vector.broadcast %jit3A_245 : i32 to vector<1x2048xi32>
    %select_n3A_247 = arith.select %ge3A_241, %concatenate3A_244, %broadcast_in_dim3A_246 : vector<1x2048xi1>, vector<1x2048xi32>
    %add3A_248 = arith.addi %add3A_238, %select_n3A_247 : vector<1x2048xi32>
    %sub3A_249 = arith.subi %add3A_248, %convert_element_type3A_137 : vector<1x2048xi32>
    %iota3A_250 = tpu.iota {dimensions = array<i32: 0>} : vector<512x2048xi32>
    %broadcast_in_dim3A_251 = vector.shape_cast %sub3A_249 : vector<1x2048xi32> to vector<1x2048xi32>
    %broadcast_in_dim3A_252 = vector.broadcast %broadcast_in_dim3A_251 : vector<1x2048xi32> to vector<512x2048xi32>
    %eq3A_253 = arith.cmpi eq, %broadcast_in_dim3A_252, %iota3A_250 : vector<512x2048xi32>
    %broadcast_in_dim3A_254 = vector.shape_cast %or3A : vector<1x2048xi1> to vector<1x2048xi1>
    %broadcast_in_dim3A_255 = vector.broadcast %broadcast_in_dim3A_254 : vector<1x2048xi1> to vector<512x2048xi1>
    %and3A_256 = arith.andi %eq3A_253, %broadcast_in_dim3A_255 : vector<512x2048xi1>
    %iota3A_257 = tpu.iota {dimensions = array<i32: 0>} : vector<2048x1xi32>
    %convert_element_type3A_258 = arith.sitofp %iota3A_257 : vector<2048x1xi32> to vector<2048x1xf32>
    %convert_element_type3A_259 = arith.extui %and3A_256 : vector<512x2048xi1> to vector<512x2048xi32>
    %convert_element_type3A_260 = arith.sitofp %convert_element_type3A_259 : vector<512x2048xi32> to vector<512x2048xf32>
    %dot_general3A = arith.constant dense<0.000000e+00> : vector<512x1xf32>
    %dot_general3A_261 = tpu.matmul %convert_element_type3A_260, %convert_element_type3A_258, %dot_general3A {dimension_numbers = #tpu.dot_dimension_numbers<[1], [0], [0], [1], [0, 0, 1, 1], [], []>, precision = #tpu.contract_precision<fp32>, transpose_lhs_hint = false} : vector<512x2048xf32>, vector<2048x1xf32>, vector<512x1xf32> -> vector<512x1xf32>
    %convert_element_type3A_262 = arith.fptosi %dot_general3A_261 : vector<512x1xf32> to vector<512x1xi32>
    %swap3A = arith.constant 0 : index
    %swap3A_263 = arith.constant 0 : index
    %swap3A_264 = arith.constant 0 : index
    %swap3A_265 = vector.load %arg4[%swap3A, %swap3A_263, %swap3A_264] : memref<1x512x1xi32, #tpu.memory_space<vmem>>, vector<1x512x1xi32>
    %swap3A_266 = vector.shape_cast %swap3A_265 : vector<1x512x1xi32> to vector<512x1xi32>
    %swap3A_267 = vector.shape_cast %convert_element_type3A_262 : vector<512x1xi32> to vector<1x512x1xi32>
    tpu.vector_store %arg4[%swap3A, %swap3A_263, %swap3A_264], %swap3A_267 {strides = array<i32>} : memref<1x512x1xi32, #tpu.memory_space<vmem>>, vector<1x512x1xi32>,
    return
  }
  func.func @transform_0(%arg0: i32) -> (i32, i32, i32) {
    %c0_i32 = arith.constant 0 : i32
    %c0_i32_0 = arith.constant 0 : i32
    %c0_i32_1 = arith.constant 0 : i32
    return %arg0, %c0_i32, %c0_i32_0 : i32, i32, i32
  }
  func.func @transform_1(%arg0: i32) -> (i32, i32, i32) {
    %c0_i32 = arith.constant 0 : i32
    %c0_i32_0 = arith.constant 0 : i32
    %c0_i32_1 = arith.constant 0 : i32
    return %arg0, %c0_i32, %c0_i32_0 : i32, i32, i32
  }
  func.func @transform_2(%arg0: i32) -> (i32, i32, i32) {
    %c0_i32 = arith.constant 0 : i32
    %c0_i32_0 = arith.constant 0 : i32
    %c0_i32_1 = arith.constant 0 : i32
    return %arg0, %c0_i32, %c0_i32_0 : i32, i32, i32
  }
  func.func @transform_3(%arg0: i32) -> (i32, i32, i32) {
    %c0_i32 = arith.constant 0 : i32
    %c0_i32_0 = arith.constant 0 : i32
    %c0_i32_1 = arith.constant 0 : i32
    return %arg0, %c0_i32, %c0_i32_0 : i32, i32, i32
  }
}

module attributes {stable_mosaic.version = 14 : i64} {
  func.func @_rel_topk_body(%arg0: i32, %arg1: memref<1x512x1024xf32, #tpu.memory_space<vmem>>, %arg2: memref<1x512x1024xf32, #tpu.memory_space<vmem>>, %arg3: memref<1x1x512xi32, #tpu.memory_space<vmem>>, %arg4: memref<1x512x1xi32, #tpu.memory_space<vmem>>, %arg5: memref<1x2048x2xf32, #tpu.memory_space<vmem>>, %arg6: memref<1x512x32xi32, #tpu.memory_space<vmem>>, %arg7: memref<1x512x32xi32, #tpu.memory_space<vmem>>) attributes {dimension_semantics = [#tpu.dimension_semantics<arbitrary>], iteration_bounds = array<i64: 4>, scalar_prefetch = 0 : i64, scratch_operands = 0 : i64, tpu.core_type = #tpu.core_type<tc>, window_params = [{transform_indices = @transform_0, window_bounds = array<i64: 1, 512, 1024>}, {transform_indices = @transform_1, window_bounds = array<i64: 1, 512, 1024>}, {transform_indices = @transform_2, window_bounds = array<i64: 1, 1, 512>}, {transform_indices = @transform_3, window_bounds = array<i64: 1, 512, 1>}, {transform_indices = @transform_4, window_bounds = array<i64: 1, 2048, 2>}, {transform_indices = @transform_5, window_bounds = array<i64: 1, 512, 32>}, {transform_indices = @transform_6, window_bounds = array<i64: 1, 512, 32>}]} {
    %get3A = arith.constant 0 : index
    %get3A_0 = arith.constant 0 : index
    %get3A_1 = arith.constant 0 : index
    %get3A_2 = vector.load %arg1[%get3A, %get3A_0, %get3A_1] : memref<1x512x1024xf32, #tpu.memory_space<vmem>>, vector<1x512x1024xf32>
    %get3A_3 = vector.shape_cast %get3A_2 : vector<1x512x1024xf32> to vector<512x1024xf32>
    %get3A_4 = arith.constant 0 : index
    %get3A_5 = arith.constant 0 : index
    %get3A_6 = arith.constant 0 : index
    %get3A_7 = vector.load %arg2[%get3A_4, %get3A_5, %get3A_6] : memref<1x512x1024xf32, #tpu.memory_space<vmem>>, vector<1x512x1024xf32>
    %get3A_8 = vector.shape_cast %get3A_7 : vector<1x512x1024xf32> to vector<512x1024xf32>
    %dot_general3A = arith.constant dense<0.000000e+00> : vector<512x512xf32>
    %dot_general3A_9 = tpu.matmul %get3A_3, %get3A_8, %dot_general3A {dimension_numbers = #tpu.dot_dimension_numbers<[1], [1], [0], [0], [0, 0, 1, 0], [], []>, transpose_lhs_hint = false} : vector<512x1024xf32>, vector<512x1024xf32>, vector<512x512xf32> -> vector<512x512xf32>
    %iota3A = tpu.iota {dimensions = array<i32: 0>} : vector<512x512xi32>
    %iota3A_10 = tpu.iota {dimensions = array<i32: 1>} : vector<512x512xi32>
    %iota3A_11 = tpu.iota {dimensions = array<i32: 1>} : vector<512x2048xi32>
    %get3A_12 = arith.constant 0 : index
    %get3A_13 = arith.constant 0 : index
    %get3A_14 = arith.constant 0 : index
    %get3A_15 = vector.load %arg4[%get3A_12, %get3A_13, %get3A_14] : memref<1x512x1xi32, #tpu.memory_space<vmem>>, vector<1x512x1xi32>
    %get3A_16 = vector.shape_cast %get3A_15 : vector<1x512x1xi32> to vector<512x1xi32>
    %broadcast_in_dim3A = vector.shape_cast %get3A_16 : vector<512x1xi32> to vector<512x1xi32>
    %broadcast_in_dim3A_17 = vector.broadcast %broadcast_in_dim3A : vector<512x1xi32> to vector<512x2048xi32>
    %eq3A = arith.cmpi eq, %broadcast_in_dim3A_17, %iota3A_11 : vector<512x2048xi32>
    %convert_element_type3A = arith.extui %eq3A : vector<512x2048xi1> to vector<512x2048xi32>
    %convert_element_type3A_18 = arith.sitofp %convert_element_type3A : vector<512x2048xi32> to vector<512x2048xf32>
    %get3A_19 = arith.constant 0 : index
    %get3A_20 = arith.constant 0 : index
    %get3A_21 = arith.constant 0 : index
    %get3A_22 = vector.load %arg5[%get3A_19, %get3A_20, %get3A_21] : memref<1x2048x2xf32, #tpu.memory_space<vmem>>, vector<1x2048x2xf32>
    %get3A_23 = vector.shape_cast %get3A_22 : vector<1x2048x2xf32> to vector<2048x2xf32>
    %dot_general3A_24 = arith.constant dense<0.000000e+00> : vector<512x2xf32>
    %dot_general3A_25 = tpu.matmul %convert_element_type3A_18, %get3A_23, %dot_general3A_24 {dimension_numbers = #tpu.dot_dimension_numbers<[1], [0], [0], [1], [0, 0, 1, 1], [], []>, precision = #tpu.contract_precision<fp32>, transpose_lhs_hint = false} : vector<512x2048xf32>, vector<2048x2xf32>, vector<512x2xf32> -> vector<512x2xf32>
    %slice3A = vector.extract_strided_slice %dot_general3A_25 {offsets = [0, 0], sizes = [512, 1], strides = [1, 1]} : vector<512x2xf32> to vector<512x1xf32>
    %sub3A = vector.broadcast %slice3A : vector<512x1xf32> to vector<512x512xf32>
    %sub3A_26 = arith.subf %dot_general3A_9, %sub3A : vector<512x512xf32>
    %exp3A = math.exp %sub3A_26 : vector<512x512xf32>
    %slice3A_27 = vector.extract_strided_slice %dot_general3A_25 {offsets = [0, 1], sizes = [512, 1], strides = [1, 1]} : vector<512x2xf32> to vector<512x1xf32>
    %div3A = vector.broadcast %slice3A_27 : vector<512x1xf32> to vector<512x512xf32>
    %div3A_28 = arith.divf %exp3A, %div3A : vector<512x512xf32>
    %eq3A_29 = arith.cmpi eq, %iota3A, %iota3A_10 : vector<512x512xi32>
    %jit3A = arith.constant 1.000000e+09 : f32
    %broadcast_in_dim3A_30 = vector.broadcast %jit3A : f32 to vector<512x512xf32>
    %select_n3A = arith.select %eq3A_29, %broadcast_in_dim3A_30, %div3A_28 : vector<512x512xi1>, vector<512x512xf32>
    %get3A_31 = arith.constant 0 : index
    %get3A_32 = arith.constant 0 : index
    %get3A_33 = arith.constant 0 : index
    %get3A_34 = vector.load %arg3[%get3A_31, %get3A_32, %get3A_33] : memref<1x1x512xi32, #tpu.memory_space<vmem>>, vector<1x1x512xi32>
    %get3A_35 = vector.shape_cast %get3A_34 : vector<1x1x512xi32> to vector<1x512xi32>
    %broadcast_in_dim3A_36 = vector.shape_cast %get3A_35 : vector<1x512xi32> to vector<1x512xi32>
    %broadcast_in_dim3A_37 = vector.broadcast %broadcast_in_dim3A_36 : vector<1x512xi32> to vector<512x512xi32>
    %iota3A_38 = tpu.iota {dimensions = array<i32: 1>} : vector<512x32xi32>
    %broadcast_in_dim3A_39 = arith.constant 0 : i32
    %broadcast_in_dim3A_40 = vector.broadcast %broadcast_in_dim3A_39 : i32 to vector<512x32xi32>
    %scan3A = arith.constant 0 : i32
    %scan3A_41 = arith.constant 32 : i32
    %scan3A_42 = arith.addi %scan3A, %scan3A_41 : i32
    %scan3A_43 = arith.constant 1 : i32
    %scan3A_44:3 = scf.for %scan3A_63 = %scan3A to %scan3A_42 step %scan3A_43 iter_args(%scan3A_64 = %select_n3A, %scan3A_65 = %broadcast_in_dim3A_40, %scan3A_66 = %broadcast_in_dim3A_40) -> (vector<512x512xf32>, vector<512x32xi32>, vector<512x32xi32>)  : i32 {
      %reduce_max3A = arith.constant dense<0xFF800000> : vector<512xf32>
      %reduce_max3A_67 = vector.multi_reduction <maximumf>, %scan3A_64, %reduce_max3A [1] : vector<512x512xf32> to vector<512xf32>
      %broadcast_in_dim3A_68 = vector.shape_cast %reduce_max3A_67 : vector<512xf32> to vector<512x1xf32>
      %eq3A_69 = vector.broadcast %broadcast_in_dim3A_68 : vector<512x1xf32> to vector<512x512xf32>
      %eq3A_70 = arith.cmpf oeq, %scan3A_64, %eq3A_69 : vector<512x512xf32>
      %jit3A_71 = arith.constant 512 : i32
      %broadcast_in_dim3A_72 = vector.broadcast %jit3A_71 : i32 to vector<512x512xi32>
      %select_n3A_73 = arith.select %eq3A_70, %iota3A_10, %broadcast_in_dim3A_72 : vector<512x512xi1>, vector<512x512xi32>
      %reduce_min3A = arith.constant dense<2147483647> : vector<512xi32>
      %reduce_min3A_74 = vector.multi_reduction <minsi>, %select_n3A_73, %reduce_min3A [1] : vector<512x512xi32> to vector<512xi32>
      %broadcast_in_dim3A_75 = vector.shape_cast %reduce_min3A_74 : vector<512xi32> to vector<512x1xi32>
      %eq3A_76 = vector.broadcast %broadcast_in_dim3A_75 : vector<512x1xi32> to vector<512x512xi32>
      %eq3A_77 = arith.cmpi eq, %iota3A_10, %eq3A_76 : vector<512x512xi32>
      %jit3A_78 = arith.constant 1073741824 : i32
      %broadcast_in_dim3A_79 = vector.broadcast %jit3A_78 : i32 to vector<512x512xi32>
      %select_n3A_80 = arith.select %eq3A_77, %broadcast_in_dim3A_37, %broadcast_in_dim3A_79 : vector<512x512xi1>, vector<512x512xi32>
      %reduce_min3A_81 = arith.constant dense<2147483647> : vector<512xi32>
      %reduce_min3A_82 = vector.multi_reduction <minsi>, %select_n3A_80, %reduce_min3A_81 [1] : vector<512x512xi32> to vector<512xi32>
      %broadcast_in_dim3A_83 = vector.shape_cast %reduce_min3A_82 : vector<512xi32> to vector<512x1xi32>
      %eq3A_84 = vector.broadcast %scan3A_63 : i32 to vector<512x32xi32>
      %eq3A_85 = arith.cmpi eq, %iota3A_38, %eq3A_84 : vector<512x32xi32>
      %broadcast_in_dim3A_86 = vector.shape_cast %broadcast_in_dim3A_75 : vector<512x1xi32> to vector<512x1xi32>
      %broadcast_in_dim3A_87 = vector.broadcast %broadcast_in_dim3A_86 : vector<512x1xi32> to vector<512x32xi32>
      %select_n3A_88 = arith.select %eq3A_85, %broadcast_in_dim3A_87, %scan3A_65 : vector<512x32xi1>, vector<512x32xi32>
      %eq3A_89 = vector.broadcast %scan3A_63 : i32 to vector<512x32xi32>
      %eq3A_90 = arith.cmpi eq, %iota3A_38, %eq3A_89 : vector<512x32xi32>
      %broadcast_in_dim3A_91 = vector.shape_cast %broadcast_in_dim3A_83 : vector<512x1xi32> to vector<512x1xi32>
      %broadcast_in_dim3A_92 = vector.broadcast %broadcast_in_dim3A_91 : vector<512x1xi32> to vector<512x32xi32>
      %select_n3A_93 = arith.select %eq3A_90, %broadcast_in_dim3A_92, %scan3A_66 : vector<512x32xi1>, vector<512x32xi32>
      %jit3A_94 = arith.constant -3.000000e+38 : f32
      %broadcast_in_dim3A_95 = vector.broadcast %jit3A_94 : f32 to vector<512x512xf32>
      %select_n3A_96 = arith.select %eq3A_77, %broadcast_in_dim3A_95, %scan3A_64 : vector<512x512xi1>, vector<512x512xf32>
      scf.yield %select_n3A_96, %select_n3A_88, %select_n3A_93 : vector<512x512xf32>, vector<512x32xi32>, vector<512x32xi32>
    }
    %scan3A_45 = arith.constant 32 : i32
    %scan3A_46 = arith.constant 0 : i32
    %scan3A_47 = arith.constant 32 : i32
    %scan3A_48 = arith.addi %scan3A_46, %scan3A_47 : i32
    %scan3A_49 = arith.constant 1 : i32
    %scan3A_50:2 = scf.for %scan3A_63 = %scan3A_46 to %scan3A_48 step %scan3A_49 iter_args(%scan3A_64 = %scan3A_44#1, %scan3A_65 = %scan3A_44#2) -> (vector<512x32xi32>, vector<512x32xi32>)  : i32 {
      %jit3A_66 = arith.constant 2 : i32
      %eq3A_67 = arith.constant 0 : i32
      %eq3A_68 = arith.cmpi eq, %jit3A_66, %eq3A_67 : i32
      %jit3A_69 = arith.constant 1 : i32
      %select_n3A_70 = arith.select %eq3A_68, %jit3A_69, %jit3A_66 : i32
      %rem3A = arith.remsi %scan3A_63, %select_n3A_70 : i32
      %ne3A = arith.constant 0 : i32
      %ne3A_71 = arith.cmpi ne, %rem3A, %ne3A : i32
      %lt3A = arith.constant 0 : i32
      %lt3A_72 = arith.cmpi slt, %rem3A, %lt3A : i32
      %lt3A_73 = arith.constant 0 : i32
      %lt3A_74 = arith.cmpi slt, %select_n3A_70, %lt3A_73 : i32
      %ne3A_75 = arith.xori %lt3A_72, %lt3A_74 : i1
      %and3A = arith.andi %ne3A_75, %ne3A_71 : i1
      %add3A = arith.addi %rem3A, %select_n3A_70 : i32
      %select_n3A_76 = arith.select %and3A, %add3A, %rem3A : i32
      %slice3A_77 = vector.extract_strided_slice %scan3A_64 {offsets = [0, 1], sizes = [512, 31], strides = [1, 1]} : vector<512x32xi32> to vector<512x31xi32>
      %slice3A_78 = vector.extract_strided_slice %scan3A_64 {offsets = [0, 0], sizes = [512, 1], strides = [1, 1]} : vector<512x32xi32> to vector<512x1xi32>
      %concatenate3A = tpu.concatenate %slice3A_77, %slice3A_78 in 1 : vector<512x31xi32>, vector<512x1xi32> -> vector<512x32xi32>
      %slice3A_79 = vector.extract_strided_slice %scan3A_64 {offsets = [0, 31], sizes = [512, 1], strides = [1, 1]} : vector<512x32xi32> to vector<512x1xi32>
      %slice3A_80 = vector.extract_strided_slice %scan3A_64 {offsets = [0, 0], sizes = [512, 31], strides = [1, 1]} : vector<512x32xi32> to vector<512x31xi32>
      %concatenate3A_81 = tpu.concatenate %slice3A_79, %slice3A_80 in 1 : vector<512x1xi32>, vector<512x31xi32> -> vector<512x32xi32>
      %jit3A_82 = arith.constant 2 : i32
      %eq3A_83 = arith.constant 0 : i32
      %eq3A_84 = arith.cmpi eq, %jit3A_82, %eq3A_83 : i32
      %jit3A_85 = arith.constant 1 : i32
      %select_n3A_86 = arith.select %eq3A_84, %jit3A_85, %jit3A_82 : i32
      %rem3A_87 = vector.broadcast %select_n3A_86 : i32 to vector<512x32xi32>
      %rem3A_88 = arith.remsi %iota3A_38, %rem3A_87 : vector<512x32xi32>
      %ne3A_89 = arith.constant 0 : i32
      %ne3A_90 = vector.broadcast %ne3A_89 : i32 to vector<512x32xi32>
      %ne3A_91 = arith.cmpi ne, %rem3A_88, %ne3A_90 : vector<512x32xi32>
      %lt3A_92 = arith.constant 0 : i32
      %lt3A_93 = vector.broadcast %lt3A_92 : i32 to vector<512x32xi32>
      %lt3A_94 = arith.cmpi slt, %rem3A_88, %lt3A_93 : vector<512x32xi32>
      %lt3A_95 = arith.constant 0 : i32
      %lt3A_96 = arith.cmpi slt, %select_n3A_86, %lt3A_95 : i32
      %ne3A_97 = vector.broadcast %lt3A_96 : i1 to vector<512x32xi1>
      %ne3A_98 = vector.broadcast %ne3A_97 : vector<512x32xi1> to vector<512x32xi1>
      %ne3A_99 = arith.xori %lt3A_94, %ne3A_98 : vector<512x32xi1>
      %and3A_100 = arith.andi %ne3A_99, %ne3A_91 : vector<512x32xi1>
      %add3A_101 = vector.broadcast %select_n3A_86 : i32 to vector<512x32xi32>
      %add3A_102 = arith.addi %rem3A_88, %add3A_101 : vector<512x32xi32>
      %select_n3A_103 = arith.select %and3A_100, %add3A_102, %rem3A_88 : vector<512x32xi1>, vector<512x32xi32>
      %eq3A_104 = vector.broadcast %select_n3A_76 : i32 to vector<512x32xi32>
      %eq3A_105 = arith.cmpi eq, %select_n3A_103, %eq3A_104 : vector<512x32xi32>
      %lt3A_106 = arith.constant 31 : i32
      %lt3A_107 = vector.broadcast %lt3A_106 : i32 to vector<512x32xi32>
      %lt3A_108 = arith.cmpi slt, %iota3A_38, %lt3A_107 : vector<512x32xi32>
      %and3A_109 = arith.andi %eq3A_105, %lt3A_108 : vector<512x32xi1>
      %jit3A_110 = arith.constant 2 : i32
      %eq3A_111 = arith.constant 0 : i32
      %eq3A_112 = arith.cmpi eq, %jit3A_110, %eq3A_111 : i32
      %jit3A_113 = arith.constant 1 : i32
      %select_n3A_114 = arith.select %eq3A_112, %jit3A_113, %jit3A_110 : i32
      %rem3A_115 = vector.broadcast %select_n3A_114 : i32 to vector<512x32xi32>
      %rem3A_116 = arith.remsi %iota3A_38, %rem3A_115 : vector<512x32xi32>
      %ne3A_117 = arith.constant 0 : i32
      %ne3A_118 = vector.broadcast %ne3A_117 : i32 to vector<512x32xi32>
      %ne3A_119 = arith.cmpi ne, %rem3A_116, %ne3A_118 : vector<512x32xi32>
      %lt3A_120 = arith.constant 0 : i32
      %lt3A_121 = vector.broadcast %lt3A_120 : i32 to vector<512x32xi32>
      %lt3A_122 = arith.cmpi slt, %rem3A_116, %lt3A_121 : vector<512x32xi32>
      %lt3A_123 = arith.constant 0 : i32
      %lt3A_124 = arith.cmpi slt, %select_n3A_114, %lt3A_123 : i32
      %ne3A_125 = vector.broadcast %lt3A_124 : i1 to vector<512x32xi1>
      %ne3A_126 = vector.broadcast %ne3A_125 : vector<512x32xi1> to vector<512x32xi1>
      %ne3A_127 = arith.xori %lt3A_122, %ne3A_126 : vector<512x32xi1>
      %and3A_128 = arith.andi %ne3A_127, %ne3A_119 : vector<512x32xi1>
      %add3A_129 = vector.broadcast %select_n3A_114 : i32 to vector<512x32xi32>
      %add3A_130 = arith.addi %rem3A_116, %add3A_129 : vector<512x32xi32>
      %select_n3A_131 = arith.select %and3A_128, %add3A_130, %rem3A_116 : vector<512x32xi1>, vector<512x32xi32>
      %ne3A_132 = vector.broadcast %select_n3A_76 : i32 to vector<512x32xi32>
      %ne3A_133 = arith.cmpi ne, %select_n3A_131, %ne3A_132 : vector<512x32xi32>
      %gt3A = arith.constant 0 : i32
      %gt3A_134 = vector.broadcast %gt3A : i32 to vector<512x32xi32>
      %gt3A_135 = arith.cmpi sgt, %iota3A_38, %gt3A_134 : vector<512x32xi32>
      %and3A_136 = arith.andi %ne3A_133, %gt3A_135 : vector<512x32xi1>
      %min3A = arith.minsi %scan3A_64, %concatenate3A : vector<512x32xi32>
      %max3A = arith.maxsi %scan3A_64, %concatenate3A_81 : vector<512x32xi32>
      %select_n3A_137 = arith.select %and3A_136, %max3A, %scan3A_64 : vector<512x32xi1>, vector<512x32xi32>
      %select_n3A_138 = arith.select %and3A_109, %min3A, %select_n3A_137 : vector<512x32xi1>, vector<512x32xi32>
      %slice3A_139 = vector.extract_strided_slice %scan3A_65 {offsets = [0, 1], sizes = [512, 31], strides = [1, 1]} : vector<512x32xi32> to vector<512x31xi32>
      %slice3A_140 = vector.extract_strided_slice %scan3A_65 {offsets = [0, 0], sizes = [512, 1], strides = [1, 1]} : vector<512x32xi32> to vector<512x1xi32>
      %concatenate3A_141 = tpu.concatenate %slice3A_139, %slice3A_140 in 1 : vector<512x31xi32>, vector<512x1xi32> -> vector<512x32xi32>
      %slice3A_142 = vector.extract_strided_slice %scan3A_65 {offsets = [0, 31], sizes = [512, 1], strides = [1, 1]} : vector<512x32xi32> to vector<512x1xi32>
      %slice3A_143 = vector.extract_strided_slice %scan3A_65 {offsets = [0, 0], sizes = [512, 31], strides = [1, 1]} : vector<512x32xi32> to vector<512x31xi32>
      %concatenate3A_144 = tpu.concatenate %slice3A_142, %slice3A_143 in 1 : vector<512x1xi32>, vector<512x31xi32> -> vector<512x32xi32>
      %jit3A_145 = arith.constant 2 : i32
      %eq3A_146 = arith.constant 0 : i32
      %eq3A_147 = arith.cmpi eq, %jit3A_145, %eq3A_146 : i32
      %jit3A_148 = arith.constant 1 : i32
      %select_n3A_149 = arith.select %eq3A_147, %jit3A_148, %jit3A_145 : i32
      %rem3A_150 = vector.broadcast %select_n3A_149 : i32 to vector<512x32xi32>
      %rem3A_151 = arith.remsi %iota3A_38, %rem3A_150 : vector<512x32xi32>
      %ne3A_152 = arith.constant 0 : i32
      %ne3A_153 = vector.broadcast %ne3A_152 : i32 to vector<512x32xi32>
      %ne3A_154 = arith.cmpi ne, %rem3A_151, %ne3A_153 : vector<512x32xi32>
      %lt3A_155 = arith.constant 0 : i32
      %lt3A_156 = vector.broadcast %lt3A_155 : i32 to vector<512x32xi32>
      %lt3A_157 = arith.cmpi slt, %rem3A_151, %lt3A_156 : vector<512x32xi32>
      %lt3A_158 = arith.constant 0 : i32
      %lt3A_159 = arith.cmpi slt, %select_n3A_149, %lt3A_158 : i32
      %ne3A_160 = vector.broadcast %lt3A_159 : i1 to vector<512x32xi1>
      %ne3A_161 = vector.broadcast %ne3A_160 : vector<512x32xi1> to vector<512x32xi1>
      %ne3A_162 = arith.xori %lt3A_157, %ne3A_161 : vector<512x32xi1>
      %and3A_163 = arith.andi %ne3A_162, %ne3A_154 : vector<512x32xi1>
      %add3A_164 = vector.broadcast %select_n3A_149 : i32 to vector<512x32xi32>
      %add3A_165 = arith.addi %rem3A_151, %add3A_164 : vector<512x32xi32>
      %select_n3A_166 = arith.select %and3A_163, %add3A_165, %rem3A_151 : vector<512x32xi1>, vector<512x32xi32>
      %eq3A_167 = vector.broadcast %select_n3A_76 : i32 to vector<512x32xi32>
      %eq3A_168 = arith.cmpi eq, %select_n3A_166, %eq3A_167 : vector<512x32xi32>
      %lt3A_169 = arith.constant 31 : i32
      %lt3A_170 = vector.broadcast %lt3A_169 : i32 to vector<512x32xi32>
      %lt3A_171 = arith.cmpi slt, %iota3A_38, %lt3A_170 : vector<512x32xi32>
      %and3A_172 = arith.andi %eq3A_168, %lt3A_171 : vector<512x32xi1>
      %jit3A_173 = arith.constant 2 : i32
      %eq3A_174 = arith.constant 0 : i32
      %eq3A_175 = arith.cmpi eq, %jit3A_173, %eq3A_174 : i32
      %jit3A_176 = arith.constant 1 : i32
      %select_n3A_177 = arith.select %eq3A_175, %jit3A_176, %jit3A_173 : i32
      %rem3A_178 = vector.broadcast %select_n3A_177 : i32 to vector<512x32xi32>
      %rem3A_179 = arith.remsi %iota3A_38, %rem3A_178 : vector<512x32xi32>
      %ne3A_180 = arith.constant 0 : i32
      %ne3A_181 = vector.broadcast %ne3A_180 : i32 to vector<512x32xi32>
      %ne3A_182 = arith.cmpi ne, %rem3A_179, %ne3A_181 : vector<512x32xi32>
      %lt3A_183 = arith.constant 0 : i32
      %lt3A_184 = vector.broadcast %lt3A_183 : i32 to vector<512x32xi32>
      %lt3A_185 = arith.cmpi slt, %rem3A_179, %lt3A_184 : vector<512x32xi32>
      %lt3A_186 = arith.constant 0 : i32
      %lt3A_187 = arith.cmpi slt, %select_n3A_177, %lt3A_186 : i32
      %ne3A_188 = vector.broadcast %lt3A_187 : i1 to vector<512x32xi1>
      %ne3A_189 = vector.broadcast %ne3A_188 : vector<512x32xi1> to vector<512x32xi1>
      %ne3A_190 = arith.xori %lt3A_185, %ne3A_189 : vector<512x32xi1>
      %and3A_191 = arith.andi %ne3A_190, %ne3A_182 : vector<512x32xi1>
      %add3A_192 = vector.broadcast %select_n3A_177 : i32 to vector<512x32xi32>
      %add3A_193 = arith.addi %rem3A_179, %add3A_192 : vector<512x32xi32>
      %select_n3A_194 = arith.select %and3A_191, %add3A_193, %rem3A_179 : vector<512x32xi1>, vector<512x32xi32>
      %ne3A_195 = vector.broadcast %select_n3A_76 : i32 to vector<512x32xi32>
      %ne3A_196 = arith.cmpi ne, %select_n3A_194, %ne3A_195 : vector<512x32xi32>
      %gt3A_197 = arith.constant 0 : i32
      %gt3A_198 = vector.broadcast %gt3A_197 : i32 to vector<512x32xi32>
      %gt3A_199 = arith.cmpi sgt, %iota3A_38, %gt3A_198 : vector<512x32xi32>
      %and3A_200 = arith.andi %ne3A_196, %gt3A_199 : vector<512x32xi1>
      %min3A_201 = arith.minsi %scan3A_65, %concatenate3A_141 : vector<512x32xi32>
      %max3A_202 = arith.maxsi %scan3A_65, %concatenate3A_144 : vector<512x32xi32>
      %select_n3A_203 = arith.select %and3A_200, %max3A_202, %scan3A_65 : vector<512x32xi1>, vector<512x32xi32>
      %select_n3A_204 = arith.select %and3A_172, %min3A_201, %select_n3A_203 : vector<512x32xi1>, vector<512x32xi32>
      scf.yield %select_n3A_138, %select_n3A_204 : vector<512x32xi32>, vector<512x32xi32>
    }
    %scan3A_51 = arith.constant 32 : i32
    %swap3A = arith.constant 0 : index
    %swap3A_52 = arith.constant 0 : index
    %swap3A_53 = arith.constant 0 : index
    %swap3A_54 = vector.load %arg6[%swap3A, %swap3A_52, %swap3A_53] : memref<1x512x32xi32, #tpu.memory_space<vmem>>, vector<1x512x32xi32>
    %swap3A_55 = vector.shape_cast %swap3A_54 : vector<1x512x32xi32> to vector<512x32xi32>
    %swap3A_56 = vector.shape_cast %scan3A_50#0 : vector<512x32xi32> to vector<1x512x32xi32>
    tpu.vector_store %arg6[%swap3A, %swap3A_52, %swap3A_53], %swap3A_56 {strides = array<i32>} : memref<1x512x32xi32, #tpu.memory_space<vmem>>, vector<1x512x32xi32>,
    %swap3A_57 = arith.constant 0 : index
    %swap3A_58 = arith.constant 0 : index
    %swap3A_59 = arith.constant 0 : index
    %swap3A_60 = vector.load %arg7[%swap3A_57, %swap3A_58, %swap3A_59] : memref<1x512x32xi32, #tpu.memory_space<vmem>>, vector<1x512x32xi32>
    %swap3A_61 = vector.shape_cast %swap3A_60 : vector<1x512x32xi32> to vector<512x32xi32>
    %swap3A_62 = vector.shape_cast %scan3A_50#1 : vector<512x32xi32> to vector<1x512x32xi32>
    tpu.vector_store %arg7[%swap3A_57, %swap3A_58, %swap3A_59], %swap3A_62 {strides = array<i32>} : memref<1x512x32xi32, #tpu.memory_space<vmem>>, vector<1x512x32xi32>,
    return
  }
  func.func @transform_0(%arg0: i32) -> (i32, i32, i32) {
    %c0_i32 = arith.constant 0 : i32
    %c0_i32_0 = arith.constant 0 : i32
    %c0_i32_1 = arith.constant 0 : i32
    return %arg0, %c0_i32, %c0_i32_0 : i32, i32, i32
  }
  func.func @transform_1(%arg0: i32) -> (i32, i32, i32) {
    %c0_i32 = arith.constant 0 : i32
    %c0_i32_0 = arith.constant 0 : i32
    %c0_i32_1 = arith.constant 0 : i32
    return %arg0, %c0_i32, %c0_i32_0 : i32, i32, i32
  }
  func.func @transform_2(%arg0: i32) -> (i32, i32, i32) {
    %c0_i32 = arith.constant 0 : i32
    %c0_i32_0 = arith.constant 0 : i32
    %c0_i32_1 = arith.constant 0 : i32
    return %arg0, %c0_i32, %c0_i32_0 : i32, i32, i32
  }
  func.func @transform_3(%arg0: i32) -> (i32, i32, i32) {
    %c0_i32 = arith.constant 0 : i32
    %c0_i32_0 = arith.constant 0 : i32
    %c0_i32_1 = arith.constant 0 : i32
    return %arg0, %c0_i32, %c0_i32_0 : i32, i32, i32
  }
  func.func @transform_4(%arg0: i32) -> (i32, i32, i32) {
    %c0_i32 = arith.constant 0 : i32
    %c0_i32_0 = arith.constant 0 : i32
    %c0_i32_1 = arith.constant 0 : i32
    return %arg0, %c0_i32, %c0_i32_0 : i32, i32, i32
  }
  func.func @transform_5(%arg0: i32) -> (i32, i32, i32) {
    %c0_i32 = arith.constant 0 : i32
    %c0_i32_0 = arith.constant 0 : i32
    %c0_i32_1 = arith.constant 0 : i32
    return %arg0, %c0_i32, %c0_i32_0 : i32, i32, i32
  }
  func.func @transform_6(%arg0: i32) -> (i32, i32, i32) {
    %c0_i32 = arith.constant 0 : i32
    %c0_i32_0 = arith.constant 0 : i32
    %c0_i32_1 = arith.constant 0 : i32
    return %arg0, %c0_i32, %c0_i32_0 : i32, i32, i32
  }
}

module attributes {stable_mosaic.version = 14 : i64} {
  func.func @_relnorm_body(%arg0: i32, %arg1: i32, %arg2: memref<1x512x1024xf32, #tpu.memory_space<vmem>>, %arg3: memref<1x16x32xi32, #tpu.memory_space<vmem>>, %arg4: memref<1x512x1024xf32, #tpu.memory_space<vmem>>) attributes {dimension_semantics = [#tpu.dimension_semantics<arbitrary>, #tpu.dimension_semantics<arbitrary>], iteration_bounds = array<i64: 4, 32>, scalar_prefetch = 0 : i64, scratch_operands = 0 : i64, tpu.core_type = #tpu.core_type<tc>, window_params = [{transform_indices = @transform_0, window_bounds = array<i64: 1, 512, 1024>}, {transform_indices = @transform_1, window_bounds = array<i64: 1, 16, 32>}, {transform_indices = @transform_2, window_bounds = array<i64: 1, 512, 1024>}]} {
    %get3A = arith.constant 0 : index
    %get3A_0 = arith.constant 0 : index
    %get3A_1 = arith.constant 0 : index
    %get3A_2 = vector.load %arg2[%get3A, %get3A_0, %get3A_1] : memref<1x512x1024xf32, #tpu.memory_space<vmem>>, vector<1x512x1024xf32>
    %get3A_3 = vector.shape_cast %get3A_2 : vector<1x512x1024xf32> to vector<512x1024xf32>
    %get3A_4 = arith.constant 0 : index
    %get3A_5 = arith.constant 0 : index
    %get3A_6 = arith.constant 0 : index
    %get3A_7 = vector.load %arg3[%get3A_4, %get3A_5, %get3A_6] : memref<1x16x32xi32, #tpu.memory_space<vmem>>, vector<1x16x32xi32>
    %get3A_8 = vector.shape_cast %get3A_7 : vector<1x16x32xi32> to vector<16x32xi32>
    %iota3A = tpu.iota {dimensions = array<i32: 2>} : vector<16x32x512xi32>
    %broadcast_in_dim3A = vector.shape_cast %get3A_8 : vector<16x32xi32> to vector<16x32x1xi32>
    %eq3A = vector.broadcast %broadcast_in_dim3A : vector<16x32x1xi32> to vector<16x32x512xi32>
    %eq3A_9 = arith.cmpi eq, %eq3A, %iota3A : vector<16x32x512xi32>
    %convert_element_type3A = arith.extui %eq3A_9 : vector<16x32x512xi1> to vector<16x32x512xi32>
    %convert_element_type3A_10 = arith.sitofp %convert_element_type3A : vector<16x32x512xi32> to vector<16x32x512xf32>
    %reshape3A = vector.shape_cast %convert_element_type3A_10 : vector<16x32x512xf32> to vector<512x512xf32>
    %dot_general3A = arith.constant dense<0.000000e+00> : vector<512x1024xf32>
    %dot_general3A_11 = tpu.matmul %reshape3A, %get3A_3, %dot_general3A {dimension_numbers = #tpu.dot_dimension_numbers<[1], [0], [0], [1], [0, 0, 1, 1], [], []>, transpose_lhs_hint = false} : vector<512x512xf32>, vector<512x1024xf32>, vector<512x1024xf32> -> vector<512x1024xf32>
    %mul3A = arith.constant 16 : i32
    %mul3A_12 = arith.muli %arg1, %mul3A : i32
    %get3A_13 = arith.constant 0 : index
    %get3A_14 = arith.index_cast %mul3A_12 : i32 to index
    %get3A_15 = arith.constant 0 : index
    %get3A_16 = vector.load %arg2[%get3A_13, %get3A_14, %get3A_15] : memref<1x512x1024xf32, #tpu.memory_space<vmem>>, vector<1x16x1024xf32>
    %get3A_17 = vector.shape_cast %get3A_16 : vector<1x16x1024xf32> to vector<16x1024xf32>
    %broadcast_in_dim3A_18 = vector.shape_cast %get3A_17 : vector<16x1024xf32> to vector<16x1x1024xf32>
    %broadcast_in_dim3A_19 = vector.shape_cast %broadcast_in_dim3A_18 : vector<16x1x1024xf32> to vector<16x1x1024xf32>
    %broadcast_in_dim3A_20 = vector.broadcast %broadcast_in_dim3A_19 : vector<16x1x1024xf32> to vector<16x32x1024xf32>
    %reshape3A_21 = vector.shape_cast %broadcast_in_dim3A_20 : vector<16x32x1024xf32> to vector<512x1024xf32>
    %add3A = arith.addf %reshape3A_21, %dot_general3A_11 : vector<512x1024xf32>
    %reduce_sum3A = arith.constant dense<0.000000e+00> : vector<512xf32>
    %reduce_sum3A_22 = vector.multi_reduction <add>, %add3A, %reduce_sum3A [1] : vector<512x1024xf32> to vector<512xf32>
    %broadcast_in_dim3A_23 = vector.shape_cast %reduce_sum3A_22 : vector<512xf32> to vector<512x1xf32>
    %div3A = arith.constant 1.024000e+03 : f32
    %div3A_24 = vector.broadcast %div3A : f32 to vector<512x1xf32>
    %div3A_25 = arith.divf %broadcast_in_dim3A_23, %div3A_24 : vector<512x1xf32>
    %sub3A = vector.broadcast %div3A_25 : vector<512x1xf32> to vector<512x1024xf32>
    %sub3A_26 = arith.subf %add3A, %sub3A : vector<512x1024xf32>
    %mul3A_27 = arith.mulf %sub3A_26, %sub3A_26 : vector<512x1024xf32>
    %reduce_sum3A_28 = arith.constant dense<0.000000e+00> : vector<512xf32>
    %reduce_sum3A_29 = vector.multi_reduction <add>, %mul3A_27, %reduce_sum3A_28 [1] : vector<512x1024xf32> to vector<512xf32>
    %broadcast_in_dim3A_30 = vector.shape_cast %reduce_sum3A_29 : vector<512xf32> to vector<512x1xf32>
    %div3A_31 = arith.constant 1.024000e+03 : f32
    %div3A_32 = vector.broadcast %div3A_31 : f32 to vector<512x1xf32>
    %div3A_33 = arith.divf %broadcast_in_dim3A_30, %div3A_32 : vector<512x1xf32>
    %add3A_34 = arith.constant 9.99999974E-6 : f32
    %add3A_35 = vector.broadcast %add3A_34 : f32 to vector<512x1xf32>
    %add3A_36 = arith.addf %div3A_33, %add3A_35 : vector<512x1xf32>
    %sqrt3A = math.sqrt %add3A_36 : vector<512x1xf32>
    %div3A_37 = vector.broadcast %sqrt3A : vector<512x1xf32> to vector<512x1024xf32>
    %div3A_38 = arith.divf %sub3A_26, %div3A_37 : vector<512x1024xf32>
    %swap3A = arith.constant 0 : index
    %swap3A_39 = arith.constant 0 : index
    %swap3A_40 = arith.constant 0 : index
    %swap3A_41 = vector.load %arg4[%swap3A, %swap3A_39, %swap3A_40] : memref<1x512x1024xf32, #tpu.memory_space<vmem>>, vector<1x512x1024xf32>
    %swap3A_42 = vector.shape_cast %swap3A_41 : vector<1x512x1024xf32> to vector<512x1024xf32>
    %swap3A_43 = vector.shape_cast %div3A_38 : vector<512x1024xf32> to vector<1x512x1024xf32>
    tpu.vector_store %arg4[%swap3A, %swap3A_39, %swap3A_40], %swap3A_43 {strides = array<i32>} : memref<1x512x1024xf32, #tpu.memory_space<vmem>>, vector<1x512x1024xf32>,
    return
  }
  func.func @transform_0(%arg0: i32, %arg1: i32) -> (i32, i32, i32) {
    %c0_i32 = arith.constant 0 : i32
    %c0_i32_0 = arith.constant 0 : i32
    %c0_i32_1 = arith.constant 0 : i32
    return %arg0, %c0_i32, %c0_i32_0 : i32, i32, i32
  }
  func.func @transform_1(%arg0: i32, %arg1: i32) -> (i32, i32, i32) {
    %c0_i32 = arith.constant 0 : i32
    %c0_i32_0 = arith.constant 0 : i32
    return %arg0, %arg1, %c0_i32 : i32, i32, i32
  }
  func.func @transform_2(%arg0: i32, %arg1: i32) -> (i32, i32, i32) {
    %c0_i32 = arith.constant 0 : i32
    %c0_i32_0 = arith.constant 0 : i32
    return %arg0, %arg1, %c0_i32 : i32, i32, i32
  }
}

</mosaic_0001>

<sc_bundles>
// kernel: kernel.7.cloned.1.call-start
scs
__scs_entry_jumppad:
0x0: {  	(pc) =	sbr.rel $0x88, $3  }
0x1: {  	(tag) =	ssettag $0x0;
	lr =	simm.s32 $0x1  }
0x2: {  	[smem:$0x3F9F] =	sst lr;
	_ =	strace $0xD0000000  }
0x3: {  	_ = 	snop  }
0x4: {  	_ = 	snop  }
0x5: {  	_ = 	snop  }
0x6: {  	_ = 	snop  }
0x7: {  	_ = 	snop  }
__scs_overlays_trampoline_lowered:
0x8: {  	[smem:$0x3FAE] =	sst s0  }
0x9: {  	[smem:$0x3FAF] =	sst s1  }
0xa: {  	[smem:$0x3FB0] =	sst s2  }
0xb: {  	[smem:$0x3FB1] =	sst s3  }
0xc: {  	[smem:$0x3FB2] =	sst s4  }
0xd: {  	[smem:$0x3FB3] =	sst s5  }
0xe: {  	[smem:$0x3FB4] =	sst s6  }
0xf: {  	[smem:$0x3FB5] =	sst s7  }
0x10: {  	[smem:$0x3FB6] =	sst s8  }
0x11: {  	[smem:$0x3FB7] =	sst s9;
	s0 =	simm.s32 @!p0 $0x0  }
0x12: {  	s1 =	sld [smem:$0x3F9D];
	s0 =	simm.s32 @p0 $0x1  }
0x13: {  	[smem:$0x3FB8] =	sst s0;
	s0 =	simm.s32 @!p1 $0x0  }
0x14: {  	s2 =	sld [smem:$0x3F9C];
	s0 =	simm.s32 @p1 $0x1  }
0x15: {  	[smem:$0x3FB9] =	sst s0;
	s0 =	simm.s32 @!p2 $0x0  }
0x16: {  	s3 =	sld [smem:$0x3FDB];
	s0 =	simm.s32 @p2 $0x1  }
0x17: {  	s4 =	simm.s32 $0x1BF5;
	[smem:$0x3FBB] =	sst s0  }
0x18: {  	s0 =	sld [smem:$0x3F9E];
	_ =	swait.ge [sflag:s4], $0x0  }
0x19: {  	s7 =	sld [smem:$0x3F9F]  }
0x1a: {  	s8 =	sadd.s32 $0xFFFFE003, lr  }
0x1b: {  	s9 =	sadd.s32 $0xFFFFFEF7, lr;
	s5 =	simm.s32 $0xFFFFFFFF;
	p2 =	slt.u32 s8, $0xFFFFF086  }
0x1c: {  	p1 =	slt.u32 s9, $0xF7A;
	s5 =	simm.s32 @!p2 $0x0  }
0x1d: {  	s5 =	simm.s32 @p1 $0x1;
	p0 =	seq.s32 s7, s2  }
0x1e: {  	s7 =	smul.u32 @!p0 $0xF7A, s2;
	p2 =	seq.s32 @!p0 s5, $0x0  }
0x1f: {  	s9 =	smul.u32 $0xF7A, s1;
	s8 =	simm.s32 @!p0 $0x1BF5;
	p2 =	por !p2, p0  }
0x20: {  	[sflag:s8] =	ssyncset.s32 @!p0 $0xFFFFF086;
	s6 =	sadd.s32 @!p0 s3, s7;
	s7 =	simm.s32 @!p0 $0x108  }
0x21: {  	s3 =	sadd.s32 s3, s9;
	s6 =	sadd.s32 @!p0 $0x88, s6;
	s7 =	simm.s32 @p2 $0x1082  }
0x22: {  	[simem:s7], [sflag:s8] =	dma.local @!p0 [hbm:s6], $0xF7A  }
0x23: {  	s9 =	sor.u32 $0xD0000000, s2;
	s6 =	simm.s32 $0x108;
	_ =	swait.ge @!p0 [sflag:s8], $0x0  }
0x24: {  	s3 =	sadd.s32 $0x88, s3;
	s6 =	simm.s32 @!p1 $0x1082;
	[sflag:s4] =	ssyncset.s32 $0xFFFFF086  }
0x25: {  	[simem:s6], [sflag:s4] =	dma.local [hbm:s3], $0xF7A  }
0x26: {  	[smem:$0x3F9F] =	sst s1;
	(tag) =	ssettag s2;
	_ =	strace s9  }
0x27: {  	s1 =	sld [smem:$0x3FAF]  }
0x28: {  	s2 =	sld [smem:$0x3FB0]  }
0x29: {  	s4 =	sld [smem:$0x3FB2]  }
0x2a: {  	p0 =	seq.s32 s5, $0x0;
	s5 =	sld [smem:$0x3FB3]  }
0x2b: {  	s6 =	sld [smem:$0x3FB4]  }
0x2c: {  	s7 =	sld [smem:$0x3FB5]  }
0x2d: {  	s3 =	simm.s32 $0x108;
	s8 =	sld [smem:$0x3FB6]  }
0x2e: {  	s3 =	simm.s32 @!p0 $0x1082;
	s9 =	sld [smem:$0x3FB7]  }
0x2f: {  	lr =	sadd.s32 s0, s3;
	s0 =	sld [smem:$0x3FAE]  }
0x30: {  	s3 =	sld [smem:$0x3FB1]  }
0x31: {  	[smem:$0x3FBA] =	sst s10  }
0x32: {  	s10 =	sld [smem:$0x3FB8];
	_ =	sdelay $0x3  }
0x33: {  	p0 =	seq.s32 s10, $0x1;
	s10 =	sld [smem:$0x3FBA];
	_ =	sdelay $0x3  }
0x34: {  	[smem:$0x3FBA] =	sst s10  }
0x35: {  	s10 =	sld [smem:$0x3FB9];
	_ =	sdelay $0x3  }
0x36: {  	p1 =	seq.s32 s10, $0x1;
	s10 =	sld [smem:$0x3FBA];
	_ =	sdelay $0x3  }
0x37: {  	[smem:$0x3FBA] =	sst s10  }
0x38: {  	s10 =	sld [smem:$0x3FBB]  }
0x39: {  	_ = 	snop;
	(pc) =	sbr.ind lr, $3  }
0x3a: {  	_ = 	snop  }
0x3b: {  	_ = 	snop  }
0x3c: {  	p2 =	seq.s32 s10, $0x1;
	s10 =	sld [smem:$0x3FBA]  }
0x3d: {  	_ =	shalt  }
0x3e: {  	_ =	shalt  }
0x3f: {  	_ =	shalt  }
0x40: {  	_ =	shalt  }
0x41: {  	_ =	shalt  }
0x42: {  	_ =	shalt  }
0x43: {  	_ =	shalt  }
0x44: {  	_ =	shalt  }
0x45: {  	_ =	shalt  }
0x46: {  	_ =	shalt  }
0x47: {  	_ =	shalt  }
0x48: {  	_ =	shalt  }
0x49: {  	_ =	shalt  }
0x4a: {  	_ =	shalt  }
0x4b: {  	_ =	shalt  }
0x4c: {  	_ =	shalt  }
0x4d: {  	_ =	shalt  }
0x4e: {  	_ =	shalt  }
0x4f: {  	_ =	shalt  }
0x50: {  	_ =	shalt  }
0x51: {  	_ =	shalt  }
0x52: {  	_ =	shalt  }
0x53: {  	_ =	shalt  }
0x54: {  	_ =	shalt  }
0x55: {  	_ =	shalt  }
0x56: {  	_ =	shalt  }
0x57: {  	_ =	shalt  }
0x58: {  	_ =	shalt  }
0x59: {  	_ =	shalt  }
0x5a: {  	_ =	shalt  }
0x5b: {  	_ =	shalt  }
0x5c: {  	_ =	shalt  }
0x5d: {  	_ =	shalt  }
0x5e: {  	_ =	shalt  }
0x5f: {  	_ =	shalt  }
0x60: {  	_ =	shalt  }
0x61: {  	_ =	shalt  }
0x62: {  	_ =	shalt  }
0x63: {  	_ =	shalt  }
0x64: {  	_ =	shalt  }
0x65: {  	_ =	shalt  }
0x66: {  	_ =	shalt  }
0x67: {  	_ =	shalt  }
0x68: {  	_ =	shalt  }
0x69: {  	_ =	shalt  }
0x6a: {  	_ =	shalt  }
0x6b: {  	_ =	shalt  }
0x6c: {  	_ =	shalt  }
0x6d: {  	_ =	shalt  }
0x6e: {  	_ =	shalt  }
0x6f: {  	_ =	shalt  }
0x70: {  	_ =	shalt  }
0x71: {  	_ =	shalt  }
0x72: {  	_ =	shalt  }
0x73: {  	_ =	shalt  }
0x74: {  	_ =	shalt  }
0x75: {  	_ =	shalt  }
0x76: {  	_ =	shalt  }
0x77: {  	_ =	shalt  }
0x78: {  	_ =	shalt  }
0x79: {  	_ =	shalt  }
0x7a: {  	_ =	shalt  }
0x7b: {  	_ =	shalt  }
0x7c: {  	_ =	shalt  }
0x7d: {  	_ =	shalt  }
0x7e: {  	_ =	shalt  }
0x7f: {  	_ =	shalt  }
0x80: {  	_ =	shalt  }
0x81: {  	_ =	shalt  }
0x82: {  	_ =	shalt  }
0x83: {  	_ =	shalt  }
0x84: {  	_ =	shalt  }
0x85: {  	_ =	shalt  }
0x86: {  	_ =	shalt  }
0x87: {  	_ =	shalt  }
.Lfunc_end0:
.L_simem_size_0:
called_computation_lowered:
.L_overlay_start_0:
0x88: {  	s2 =	sld [smem:$0x3FD9]  }
0x89: {  	s3 =	sld [smem:$0x3FFE];
	_ =	sdelay $0x1  }
0x8a: {  	s1 =	srdreg.scid  }
0x8b: {  	s0 =	sand.u32 $0x1, s1  }
0x8c: {  	s14 =	sshll.u32 s0, $0xA;
	s2 =	sadd.s32 s3, s2  }
0x8d: {  	s2 =	sadd.s32 s2, s14  }
0x8e: {  	[smem:$0x3FC6] =	sst s2  }
0x8f: {  	_ = 	snop  }
0x90: {  	s2 =	sld [smem:$0x3FD0];
	_ =	sdelay $0x1  }
0x91: {  	s15 =	sld [smem:$0x3FC9]  }
0x92: {  	s5 =	simm.s32 $0xA;
	s6 =	simm.s32 $0x10;
	s4 =	sld [smem:$0x3FC8]  }
0x93: {  	[smem:s6], [sflag:s5] =	dma.local [hbm:s2], $0x1  }
0x94: {  	_ =	swait.eq [sflag:s5], $0x1  }
0x95: {  	[sflag:s5] =	ssyncset.done $0x0  }
0x96: {  	s16 =	sld [smem:$0x11];
	[sflag:s5] =	ssyncadd.s32 $0xFFFFFFFF  }
0x97: {  	s17 =	sld [smem:$0x12];
	(tm) =	ssettm $0x1  }
0x98: {  	s18 =	sld [smem:$0x3FFB];
	_ =	sdelay $0x3  }
0x99: {  	_ =	strace s18  }
0x9a: {  	s6 =	sld [smem:$0x3FFC];
	_ =	sdelay $0x3  }
0x9b: {  	_ =	strace s6  }
0x9c: {  	s6 =	sld [smem:$0x3FFD];
	_ =	sdelay $0x3  }
0x9d: {  	_ =	strace s6  }
0x9e: {  	_ =	strace $0x8FFFFFFF  }
0x9f: {  	s19 =	sld [smem:$0x3FDB];
	_ =	sdelay $0x1  }
0xa0: {  	s7 =	simm.s32 $_scs_section_size  }
0xa1: {  	s8 =	simm.s32 $_size__tile_overlayer_lowered;
	s9 =	simm.s32 $_tile_overlayer_lowered  }
0xa2: {  	s22 =	simm.s32 $0x1BFF;
	s21 =	sshll.u32 s9, $0x1;
	s6 =	sadd.s32 s7, s19  }
0xa3: {  	s10 =	simm.s32 $0x0;
	s20 =	sshll.u32 s8, $0x1;
	s8 =	sadd.s32 s21, s6  }
0xa4: {  	[timem:s10], [sflag:s22] =	dma.local [hbm:s8], s20  }
0xa5: {  	_ =	swait.ge [sflag:s22], s20  }
0xa6: {  	s7 =	ssub.s32 $0x0, s20;
	[sflag:s22] =	ssyncset.done $0x0  }
0xa7: {  	[sflag:s22] =	ssyncadd.s32 s7;
	_ =	sdelay $0x1  }
0xa8: {  	s23 =	simm.s32 $0x1B8B  }
0xa9: {  	_ =	swait.ge [sflag:s23], $0x1  }
0xaa: {  	[sflag:s23] =	ssyncset.done $0x0  }
0xab: {  	s25 =	simm.s32 $0x1B8E;
	s24 =	sld [smem:$0x3FFE];
	[sflag:s23] =	ssyncadd.s32 $0xFFFFFFFF  }
0xac: {  	s26 =	simm.s32 $execute0_lowered;
	[smem:$0x3FD2] =	sst s25  }
0xad: {  	s8 =	sshll.u32 s26, $0x1;
	_ =	strace $0x80000046;
	[dreg:$0x1] =	wrdreg $0xFFFFFFFF  }
0xae: {  	s28 =	simm.s32 $_size_execute0_lowered;
	s6 =	sadd.s32 s6, s8;
	[dreg:$0x0] =	wrdreg $0x0  }
0xaf: {  	s8 =	sshll.u32 s28, $0x1;
	[dreg:$0x2] =	wrdreg s6  }
0xb0: {  	[dreg:$0x3] =	wrdreg s8  }
0xb1: {  	[dreg:$0x4] =	wrdreg $0xC0  }
0xb2: {  	_ =	task [dreg:s10], $0x5FFFF  }
0xb3: {  	[dreg:$0x1] =	wrdreg $0xFFFFFFFF  }
0xb4: {  	[dreg:$0x0] =	wrdreg $0x60  }
0xb5: {  	[dreg:$0x2] =	wrdreg s15  }
0xb6: {  	[dreg:$0x3] =	wrdreg s4  }
0xb7: {  	[dreg:$0x4] =	wrdreg s16  }
0xb8: {  	[dreg:$0x5] =	wrdreg s17  }
0xb9: {  	[dreg:$0x6] =	wrdreg s24  }
0xba: {  	[dreg:$0x7] =	wrdreg $0x9  }
0xbb: {  	_ =	task.clear_ibuf [dreg:s10], $0x8FFFF;
	_ =	strace $0x90000046  }
0xbc: {  	s29 =	simm.s32 $0x9;
	_ =	strace $0x80000048  }
0xbd: {  	_ =	swait.ge [sflag:s29], $0x1  }
0xbe: {  	[sflag:s29] =	ssyncadd.s32 $0xFFFFFFFF  }
0xbf: {  	_ =	strace $0x90000048  }
0xc0: {  	_ =	sfence  }
0xc1: {  	s30 =	sld [smem:$0x0];
	_ =	sdelay $0x2  }
0xc2: {  	s31 =	sshll.u32 s1, $0xD;
	s1 =	sshrl.u32 s1, $0x2  }
0xc3: {  	s3 =	sand.u32 $0x4000, s31;
	s1 =	sadd.s32 s1, s30  }
0xc4: {  	s0 =	sor.u32 s3, s0;
	s1 =	sshll.u32 s1, $0x11  }
0xc5: {  	s0 =	sor.u32 s1, s0  }
0xc6: {  	s0 =	sadd.s32 $0x8F2B, s0  }
0xc7: {  	[sflag:s0] =	ssyncadd.remote.s32 $0x1  }
0xc8: {  	_ =	sfence.sel $0xFFFF  }
0xc9: {  	[dreg:$0x0] =	wrdreg $0xFFFFFFFF;
	(pc) =	sbr.abs _section_cstart, $3  }
0xca: {  	[dreg:$0x1] =	wrdreg $0xFFFFFFFF  }
0xcb: {  	_ =	task.clear_ibuf [dreg:s10], $0x2FFFF;
	_ =	strace $0x9FFFFFFF  }
0xcc: {  	(tm) =	ssettm $0x7FFFFFFF  }
0xcd: {  	_ =	shalt  }
tec
execute0_lowered:
.L_overlay_start_1:
0x0: {  	(tag) =	ssettag $0x1  }
0x1: {  	s1 =	rddreg [dreg:$0x0]  }
0x2: {  	s2 =	rddreg [dreg:$0x1]  }
0x3: {  	s0 =	rddreg [dreg:$0x2]  }
0x4: {  	s3 =	rddreg [dreg:$0x3]  }
0x5: {  	s5 =	rddreg [dreg:$0x4]  }
0x6: {  	s4 =	srdreg.scid;
	s7 =	stileid.u32  }
0x7: {  	s29 =	simm.s32 $0x880;
	s30 =	simm.s32 $0x1080;
	s31 =	simm.s32 $0x1880  }
0x8: {  	s14 =	simm.s32 $0x3080;
	s15 =	simm.s32 $0x3880;
	s16 =	simm.s32 $0x4080  }
0x9: {  	s17 =	simm.s32 $0x4880;
	s18 =	simm.s32 $0x5080;
	s19 =	simm.s32 $0x5880  }
0xa: {  	s20 =	simm.s32 $0x6080;
	s21 =	simm.s32 $0x6880;
	s22 =	simm.s32 $0x7080  }
0xb: {  	s23 =	simm.s32 $0x7880;
	s24 =	simm.s32 $0x8080;
	s25 =	simm.s32 $0x8880  }
0xc: {  	s13 =	simm.s32 $0x9080;
	s6 =	sand.u32 $0x1, s4;
	s4 =	simm.s32 $0x0  }
0xd: {  	s7 =	sshll.u32 s7, $0x7;
	s10 =	sadd.s32 $0x300, s2;
	s8 =	sshll.u32 s6, $0x6  }
0xe: {  	[smem:$0x7FF] =	sst s4;
	s6 =	ssub.s32 $0x2, s6;
	s7 =	sor.u32 s8, s7  }
0xf: {  	_ =	strace $0x80000047;
	s9 =	sshrl.u32 s6, $0x1;
	s8 =	sshrl.u32 s7, $0x3  }
0x10: {  	s7 =	sshll.u32 s7, $0x7;
	s12 =	ssub.s32 s6, s9;
	s6 =	sadd.s32 $0x200, s1  }
0x11: {  	s9 =	sadd.s32 $0x200, s2;
	s0 =	sadd.s32 s0, s8;
	s11 =	sadd.s32 s7, s5  }
0x12: {  	s5 =	sadd.s32 $0x100, s1;
	s26 =	sadd.s32 s3, s7;
	[dreg:$0x6] =	wrdreg s0  }
0x13: {  	v2 =	vlaneseq.u32;
	s7 =	sadd.s32 $0x300, s1;
	s8 =	sadd.s32 $0x100, s2;
	[dreg:$0x7] =	wrdreg s26  }
0x14: {  	vm0 =	vmmov $0xffff;
	v1 =	vshrl.u32 v2, $0x3;
	s28 =	sadd.s32 $0x600, s11;
	s11 =	smax.u32 s12, $0x1;
	s12 =	simm.s32 $0x2  }
0x15: {  	v0 =	vand.u32 $0x7, v2;
	v2 =	vor.u32 $0x8, v2;
	v1 =	vmul.u32 $0x8, v1;
	s26 =	simm.s32 $0x1;
	s0 =	simm.s32 $0x80;
	[dreg:$0x8] =	wrdreg s28  }
.LBB2_1:
0x16: {  	s28 =	rddreg [dreg:$0x6]  }
0x17: {  	[tilespmem:s4], [sflag:$0x2] =	stream.linear.gather [hbm4b:s28+s4], $0x40, $0x38;
	[tilespmem:$0x10080] =	vst v63  }
0x18: {  	_ =	swait.ge [sflag:s12], $0x40  }
0x19: {  	[sflag:s12] =	ssyncset.done $0x0  }
0x1a: {  	[sflag:s12] =	ssyncadd.s32 $0xFFFFFFC0  }
0x1b: {  	v3 =	vld [tilespmem:$0x0];
	_ =	sdelay $0x4  }
0x1c: {  	v4 =	vshll.u32 v3, $0x3  }
0x1d: {  	v3 =	vand.u32 $0x7, v3;
	v4 =	vand.u32 $0xFFFFFFC0, v4  }
0x1e: {  	v3 =	vor.u32 v3, v4  }
0x1f: {  	v4 =	vperm.xlane v3, v0;
	_ =	sdelay $0x1  }
0x20: {  	v4 =	vadd.s32 v1, v4;
	_ =	sdelay $0x4  }
0x21: {  	[tilespmem:s0], [sflag:$0x1] =	stream.indirect_vreg.gather [hbm4b:s1+s4], $0x80, v4, vm0, $0xb8;
	[tilespmem:$0x10080] =	vst v63  }
0x22: {  	v3 =	vperm.xlane v3, v2  }
0x23: {  	[tilespmem:s29], [sflag:$0x1] =	stream.indirect_vreg.gather [hbm4b:s5+s4], $0x80, v4, vm0, $0xb8;
	[tilespmem:$0x10080] =	vst v63  }
0x24: {  	v3 =	vadd.s32 v1, v3  }
0x25: {  	[tilespmem:s30], [sflag:$0x1] =	stream.indirect_vreg.gather [hbm4b:s6+s4], $0x80, v4, vm0, $0xb8;
	[tilespmem:$0x10080] =	vst v63  }
0x26: {  	_ = 	snop  }
0x27: {  	[tilespmem:s31], [sflag:$0x1] =	stream.indirect_vreg.gather [hbm4b:s7+s4], $0x80, v4, vm0, $0xb8;
	[tilespmem:$0x10080] =	vst v63  }
0x28: {  	s3 =	simm.s32 $0x2080  }
0x29: {  	[tilespmem:s3], [sflag:$0x1] =	stream.indirect_vreg.gather [hbm4b:s1+s4], $0x80, v3, vm0, $0xb8;
	[tilespmem:$0x10080] =	vst v63  }
0x2a: {  	s3 =	simm.s32 $0x2880  }
0x2b: {  	[tilespmem:s3], [sflag:$0x1] =	stream.indirect_vreg.gather [hbm4b:s5+s4], $0x80, v3, vm0, $0xb8;
	[tilespmem:$0x10080] =	vst v63  }
0x2c: {  	_ = 	snop  }
0x2d: {  	[tilespmem:s14], [sflag:$0x1] =	stream.indirect_vreg.gather [hbm4b:s6+s4], $0x80, v3, vm0, $0xb8;
	[tilespmem:$0x10080] =	vst v63  }
0x2e: {  	_ = 	snop  }
0x2f: {  	[tilespmem:s15], [sflag:$0x1] =	stream.indirect_vreg.gather [hbm4b:s7+s4], $0x80, v3, vm0, $0xb8;
	[tilespmem:$0x10080] =	vst v63  }
0x30: {  	v3 =	vld [tilespmem:$0x10];
	_ =	sdelay $0x4  }
0x31: {  	v57 =	vshll.u32 v3, $0x3  }
0x32: {  	v3 =	vand.u32 $0x7, v3;
	v4 =	vand.u32 $0xFFFFFFC0, v57  }
0x33: {  	v3 =	vor.u32 v3, v4  }
0x34: {  	v4 =	vperm.xlane v3, v0;
	_ =	sdelay $0x1  }
0x35: {  	v4 =	vadd.s32 v1, v4;
	_ =	sdelay $0x4  }
0x36: {  	[tilespmem:s16], [sflag:$0x1] =	stream.indirect_vreg.gather [hbm4b:s1+s4], $0x80, v4, vm0, $0xb8;
	[tilespmem:$0x10080] =	vst v63  }
0x37: {  	v3 =	vperm.xlane v3, v2  }
0x38: {  	[tilespmem:s17], [sflag:$0x1] =	stream.indirect_vreg.gather [hbm4b:s5+s4], $0x80, v4, vm0, $0xb8;
	[tilespmem:$0x10080] =	vst v63  }
0x39: {  	v3 =	vadd.s32 v1, v3  }
0x3a: {  	[tilespmem:s18], [sflag:$0x1] =	stream.indirect_vreg.gather [hbm4b:s6+s4], $0x80, v4, vm0, $0xb8;
	[tilespmem:$0x10080] =	vst v63  }
0x3b: {  	_ = 	snop  }
0x3c: {  	[tilespmem:s19], [sflag:$0x1] =	stream.indirect_vreg.gather [hbm4b:s7+s4], $0x80, v4, vm0, $0xb8;
	[tilespmem:$0x10080] =	vst v63  }
0x3d: {  	_ = 	snop  }
0x3e: {  	[tilespmem:s20], [sflag:$0x1] =	stream.indirect_vreg.gather [hbm4b:s1+s4], $0x80, v3, vm0, $0xb8;
	[tilespmem:$0x10080] =	vst v63  }
0x3f: {  	_ = 	snop  }
0x40: {  	[tilespmem:s21], [sflag:$0x1] =	stream.indirect_vreg.gather [hbm4b:s5+s4], $0x80, v3, vm0, $0xb8;
	[tilespmem:$0x10080] =	vst v63  }
0x41: {  	_ = 	snop  }
0x42: {  	[tilespmem:s22], [sflag:$0x1] =	stream.indirect_vreg.gather [hbm4b:s6+s4], $0x80, v3, vm0, $0xb8;
	[tilespmem:$0x10080] =	vst v63  }
0x43: {  	_ = 	snop  }
0x44: {  	[tilespmem:s23], [sflag:$0x1] =	stream.indirect_vreg.gather [hbm4b:s7+s4], $0x80, v3, vm0, $0xb8;
	[tilespmem:$0x10080] =	vst v63  }
0x45: {  	v3 =	vld [tilespmem:$0x20];
	_ =	sdelay $0x4  }
0x46: {  	v58 =	vshll.u32 v3, $0x3  }
0x47: {  	v3 =	vand.u32 $0x7, v3;
	v4 =	vand.u32 $0xFFFFFFC0, v58  }
0x48: {  	v3 =	vor.u32 v3, v4  }
0x49: {  	v4 =	vperm.xlane v3, v0;
	_ =	sdelay $0x1  }
0x4a: {  	v4 =	vadd.s32 v1, v4;
	_ =	sdelay $0x4  }
0x4b: {  	[tilespmem:s24], [sflag:$0x1] =	stream.indirect_vreg.gather [hbm4b:s1+s4], $0x80, v4, vm0, $0xb8;
	[tilespmem:$0x10080] =	vst v63  }
0x4c: {  	v3 =	vperm.xlane v3, v2  }
0x4d: {  	[tilespmem:s25], [sflag:$0x1] =	stream.indirect_vreg.gather [hbm4b:s5+s4], $0x80, v4, vm0, $0xb8;
	[tilespmem:$0x10080] =	vst v63  }
0x4e: {  	v3 =	vadd.s32 v1, v3  }
0x4f: {  	[tilespmem:s13], [sflag:$0x1] =	stream.indirect_vreg.gather [hbm4b:s6+s4], $0x80, v4, vm0, $0xb8;
	[tilespmem:$0x10080] =	vst v63  }
0x50: {  	s28 =	simm.s32 $0x9880  }
0x51: {  	[tilespmem:s28], [sflag:$0x1] =	stream.indirect_vreg.gather [hbm4b:s7+s4], $0x80, v4, vm0, $0xb8;
	[tilespmem:$0x10080] =	vst v63  }
0x52: {  	s28 =	simm.s32 $0xA080  }
0x53: {  	[tilespmem:s28], [sflag:$0x1] =	stream.indirect_vreg.gather [hbm4b:s1+s4], $0x80, v3, vm0, $0xb8;
	[tilespmem:$0x10080] =	vst v63  }
0x54: {  	s28 =	simm.s32 $0xA880  }
0x55: {  	[tilespmem:s28], [sflag:$0x1] =	stream.indirect_vreg.gather [hbm4b:s5+s4], $0x80, v3, vm0, $0xb8;
	[tilespmem:$0x10080] =	vst v63  }
0x56: {  	s28 =	simm.s32 $0xB080  }
0x57: {  	[tilespmem:s28], [sflag:$0x1] =	stream.indirect_vreg.gather [hbm4b:s6+s4], $0x80, v3, vm0, $0xb8;
	[tilespmem:$0x10080] =	vst v63  }
0x58: {  	s28 =	simm.s32 $0xB880  }
0x59: {  	[tilespmem:s28], [sflag:$0x1] =	stream.indirect_vreg.gather [hbm4b:s7+s4], $0x80, v3, vm0, $0xb8;
	[tilespmem:$0x10080] =	vst v63  }
0x5a: {  	v3 =	vld [tilespmem:$0x30];
	_ =	sdelay $0x4  }
0x5b: {  	v59 =	vshll.u32 v3, $0x3  }
0x5c: {  	v3 =	vand.u32 $0x7, v3;
	v4 =	vand.u32 $0xFFFFFFC0, v59  }
0x5d: {  	v3 =	vor.u32 v3, v4  }
0x5e: {  	v4 =	vperm.xlane v3, v0;
	_ =	sdelay $0x1  }
0x5f: {  	v4 =	vadd.s32 v1, v4;
	_ =	sdelay $0x3  }
0x60: {  	s28 =	simm.s32 $0xC080  }
0x61: {  	[tilespmem:s28], [sflag:$0x1] =	stream.indirect_vreg.gather [hbm4b:s1+s4], $0x80, v4, vm0, $0xb8;
	[tilespmem:$0x10080] =	vst v63  }
0x62: {  	v3 =	vperm.xlane v3, v2;
	s28 =	simm.s32 $0xC880  }
0x63: {  	[tilespmem:s28], [sflag:$0x1] =	stream.indirect_vreg.gather [hbm4b:s5+s4], $0x80, v4, vm0, $0xb8;
	[tilespmem:$0x10080] =	vst v63  }
0x64: {  	v3 =	vadd.s32 v1, v3;
	s28 =	simm.s32 $0xD080  }
0x65: {  	[tilespmem:s28], [sflag:$0x1] =	stream.indirect_vreg.gather [hbm4b:s6+s4], $0x80, v4, vm0, $0xb8;
	[tilespmem:$0x10080] =	vst v63  }
0x66: {  	s28 =	simm.s32 $0xD880  }
0x67: {  	[tilespmem:s28], [sflag:$0x1] =	stream.indirect_vreg.gather [hbm4b:s7+s4], $0x80, v4, vm0, $0xb8;
	[tilespmem:$0x10080] =	vst v63  }
0x68: {  	s28 =	simm.s32 $0xE080  }
0x69: {  	[tilespmem:s28], [sflag:$0x1] =	stream.indirect_vreg.gather [hbm4b:s1+s4], $0x80, v3, vm0, $0xb8;
	[tilespmem:$0x10080] =	vst v63  }
0x6a: {  	s28 =	simm.s32 $0xE880  }
0x6b: {  	[tilespmem:s28], [sflag:$0x1] =	stream.indirect_vreg.gather [hbm4b:s5+s4], $0x80, v3, vm0, $0xb8;
	[tilespmem:$0x10080] =	vst v63  }
0x6c: {  	s28 =	simm.s32 $0xF080  }
0x6d: {  	[tilespmem:s28], [sflag:$0x1] =	stream.indirect_vreg.gather [hbm4b:s6+s4], $0x80, v3, vm0, $0xb8;
	[tilespmem:$0x10080] =	vst v63  }
0x6e: {  	s28 =	simm.s32 $0xF880  }
0x6f: {  	[tilespmem:s28], [sflag:$0x1] =	stream.indirect_vreg.gather [hbm4b:s7+s4], $0x80, v3, vm0, $0xb8;
	[tilespmem:$0x10080] =	vst v63  }
0x70: {  	_ =	swait.ge [sflag:s26], $0x10000  }
0x71: {  	[sflag:s26] =	ssyncset.done $0x0  }
0x72: {  	s28 =	rddreg [dreg:$0x7];
	[sflag:s26] =	ssyncadd.s32 $0xFFFF0000  }
0x73: {  	[hbm4b:s28+s4] =	stream.linear.scatter [tilespmem:s0], [sflag:$0x2], $0x10000, $0x38;
	[tilespmem:$0x10080] =	vst v63  }
0x74: {  	_ =	swait.ge [sflag:s12], $0x10000  }
0x75: {  	[sflag:s12] =	ssyncset.done $0x0  }
0x76: {  	[sflag:s12] =	ssyncadd.s32 $0xFFFF0000  }
0x77: {  	v3 =	vld [tilespmem:$0x0];
	_ =	sdelay $0x4  }
0x78: {  	v60 =	vshll.u32 v3, $0x3  }
0x79: {  	v3 =	vand.u32 $0x7, v3;
	v4 =	vand.u32 $0xFFFFFFC0, v60  }
0x7a: {  	v3 =	vor.u32 v3, v4  }
0x7b: {  	v4 =	vperm.xlane v3, v0;
	_ =	sdelay $0x1  }
0x7c: {  	v4 =	vadd.s32 v1, v4;
	_ =	sdelay $0x4  }
0x7d: {  	[tilespmem:s0], [sflag:$0x1] =	stream.indirect_vreg.gather [hbm4b:s2+s4], $0x80, v4, vm0, $0xb8;
	[tilespmem:$0x10080] =	vst v63  }
0x7e: {  	v3 =	vperm.xlane v3, v2  }
0x7f: {  	[tilespmem:s29], [sflag:$0x1] =	stream.indirect_vreg.gather [hbm4b:s8+s4], $0x80, v4, vm0, $0xb8;
	[tilespmem:$0x10080] =	vst v63  }
0x80: {  	v3 =	vadd.s32 v1, v3  }
0x81: {  	[tilespmem:s30], [sflag:$0x1] =	stream.indirect_vreg.gather [hbm4b:s9+s4], $0x80, v4, vm0, $0xb8;
	[tilespmem:$0x10080] =	vst v63  }
0x82: {  	_ = 	snop  }
0x83: {  	[tilespmem:s31], [sflag:$0x1] =	stream.indirect_vreg.gather [hbm4b:s10+s4], $0x80, v4, vm0, $0xb8;
	[tilespmem:$0x10080] =	vst v63  }
0x84: {  	s28 =	simm.s32 $0x2080  }
0x85: {  	[tilespmem:s28], [sflag:$0x1] =	stream.indirect_vreg.gather [hbm4b:s2+s4], $0x80, v3, vm0, $0xb8;
	[tilespmem:$0x10080] =	vst v63  }
0x86: {  	_ = 	snop  }
0x87: {  	[tilespmem:s3], [sflag:$0x1] =	stream.indirect_vreg.gather [hbm4b:s8+s4], $0x80, v3, vm0, $0xb8;
	[tilespmem:$0x10080] =	vst v63  }
0x88: {  	_ = 	snop  }
0x89: {  	[tilespmem:s14], [sflag:$0x1] =	stream.indirect_vreg.gather [hbm4b:s9+s4], $0x80, v3, vm0, $0xb8;
	[tilespmem:$0x10080] =	vst v63  }
0x8a: {  	_ = 	snop  }
0x8b: {  	[tilespmem:s15], [sflag:$0x1] =	stream.indirect_vreg.gather [hbm4b:s10+s4], $0x80, v3, vm0, $0xb8;
	[tilespmem:$0x10080] =	vst v63  }
0x8c: {  	v3 =	vld [tilespmem:$0x10];
	_ =	sdelay $0x4  }
0x8d: {  	v61 =	vshll.u32 v3, $0x3  }
0x8e: {  	v3 =	vand.u32 $0x7, v3;
	v4 =	vand.u32 $0xFFFFFFC0, v61  }
0x8f: {  	v3 =	vor.u32 v3, v4  }
0x90: {  	v4 =	vperm.xlane v3, v0;
	_ =	sdelay $0x1  }
0x91: {  	v4 =	vadd.s32 v1, v4;
	_ =	sdelay $0x4  }
0x92: {  	[tilespmem:s16], [sflag:$0x1] =	stream.indirect_vreg.gather [hbm4b:s2+s4], $0x80, v4, vm0, $0xb8;
	[tilespmem:$0x10080] =	vst v63  }
0x93: {  	v3 =	vperm.xlane v3, v2  }
0x94: {  	[tilespmem:s17], [sflag:$0x1] =	stream.indirect_vreg.gather [hbm4b:s8+s4], $0x80, v4, vm0, $0xb8;
	[tilespmem:$0x10080] =	vst v63  }
0x95: {  	v3 =	vadd.s32 v1, v3  }
0x96: {  	[tilespmem:s18], [sflag:$0x1] =	stream.indirect_vreg.gather [hbm4b:s9+s4], $0x80, v4, vm0, $0xb8;
	[tilespmem:$0x10080] =	vst v63  }
0x97: {  	_ = 	snop  }
0x98: {  	[tilespmem:s19], [sflag:$0x1] =	stream.indirect_vreg.gather [hbm4b:s10+s4], $0x80, v4, vm0, $0xb8;
	[tilespmem:$0x10080] =	vst v63  }
0x99: {  	_ = 	snop  }
0x9a: {  	[tilespmem:s20], [sflag:$0x1] =	stream.indirect_vreg.gather [hbm4b:s2+s4], $0x80, v3, vm0, $0xb8;
	[tilespmem:$0x10080] =	vst v63  }
0x9b: {  	_ = 	snop  }
0x9c: {  	[tilespmem:s21], [sflag:$0x1] =	stream.indirect_vreg.gather [hbm4b:s8+s4], $0x80, v3, vm0, $0xb8;
	[tilespmem:$0x10080] =	vst v63  }
0x9d: {  	_ = 	snop  }
0x9e: {  	[tilespmem:s22], [sflag:$0x1] =	stream.indirect_vreg.gather [hbm4b:s9+s4], $0x80, v3, vm0, $0xb8;
	[tilespmem:$0x10080] =	vst v63  }
0x9f: {  	_ = 	snop  }
0xa0: {  	[tilespmem:s23], [sflag:$0x1] =	stream.indirect_vreg.gather [hbm4b:s10+s4], $0x80, v3, vm0, $0xb8;
	[tilespmem:$0x10080] =	vst v63  }
0xa1: {  	v3 =	vld [tilespmem:$0x20];
	_ =	sdelay $0x4  }
0xa2: {  	v62 =	vshll.u32 v3, $0x3  }
0xa3: {  	v3 =	vand.u32 $0x7, v3;
	v4 =	vand.u32 $0xFFFFFFC0, v62  }
0xa4: {  	v3 =	vor.u32 v3, v4  }
0xa5: {  	v4 =	vperm.xlane v3, v0;
	_ =	sdelay $0x1  }
0xa6: {  	v4 =	vadd.s32 v1, v4;
	_ =	sdelay $0x4  }
0xa7: {  	[tilespmem:s24], [sflag:$0x1] =	stream.indirect_vreg.gather [hbm4b:s2+s4], $0x80, v4, vm0, $0xb8;
	[tilespmem:$0x10080] =	vst v63  }
0xa8: {  	v3 =	vperm.xlane v3, v2  }
0xa9: {  	[tilespmem:s25], [sflag:$0x1] =	stream.indirect_vreg.gather [hbm4b:s8+s4], $0x80, v4, vm0, $0xb8;
	[tilespmem:$0x10080] =	vst v63  }
0xaa: {  	v3 =	vadd.s32 v1, v3  }
0xab: {  	[tilespmem:s13], [sflag:$0x1] =	stream.indirect_vreg.gather [hbm4b:s9+s4], $0x80, v4, vm0, $0xb8;
	[tilespmem:$0x10080] =	vst v63  }
0xac: {  	s28 =	simm.s32 $0x9880  }
0xad: {  	[tilespmem:s28], [sflag:$0x1] =	stream.indirect_vreg.gather [hbm4b:s10+s4], $0x80, v4, vm0, $0xb8;
	[tilespmem:$0x10080] =	vst v63  }
0xae: {  	s28 =	simm.s32 $0xA080  }
0xaf: {  	[tilespmem:s28], [sflag:$0x1] =	stream.indirect_vreg.gather [hbm4b:s2+s4], $0x80, v3, vm0, $0xb8;
	[tilespmem:$0x10080] =	vst v63  }
0xb0: {  	s28 =	simm.s32 $0xA880  }
0xb1: {  	[tilespmem:s28], [sflag:$0x1] =	stream.indirect_vreg.gather [hbm4b:s8+s4], $0x80, v3, vm0, $0xb8;
	[tilespmem:$0x10080] =	vst v63  }
0xb2: {  	s28 =	simm.s32 $0xB080  }
0xb3: {  	[tilespmem:s28], [sflag:$0x1] =	stream.indirect_vreg.gather [hbm4b:s9+s4], $0x80, v3, vm0, $0xb8;
	[tilespmem:$0x10080] =	vst v63  }
0xb4: {  	s28 =	simm.s32 $0xB880  }
0xb5: {  	[tilespmem:s28], [sflag:$0x1] =	stream.indirect_vreg.gather [hbm4b:s10+s4], $0x80, v3, vm0, $0xb8;
	[tilespmem:$0x10080] =	vst v63  }
0xb6: {  	v3 =	vld [tilespmem:$0x30];
	_ =	sdelay $0x4  }
0xb7: {  	v63 =	vshll.u32 v3, $0x3  }
0xb8: {  	v3 =	vand.u32 $0x7, v3;
	v4 =	vand.u32 $0xFFFFFFC0, v63  }
0xb9: {  	v3 =	vor.u32 v3, v4  }
0xba: {  	v4 =	vperm.xlane v3, v0;
	_ =	sdelay $0x1  }
0xbb: {  	v4 =	vadd.s32 v1, v4;
	_ =	sdelay $0x3  }
0xbc: {  	s28 =	simm.s32 $0xC080  }
0xbd: {  	[tilespmem:s28], [sflag:$0x1] =	stream.indirect_vreg.gather [hbm4b:s2+s4], $0x80, v4, vm0, $0xb8;
	[tilespmem:$0x10080] =	vst v63  }
0xbe: {  	v3 =	vperm.xlane v3, v2;
	s28 =	simm.s32 $0xC880  }
0xbf: {  	[tilespmem:s28], [sflag:$0x1] =	stream.indirect_vreg.gather [hbm4b:s8+s4], $0x80, v4, vm0, $0xb8;
	[tilespmem:$0x10080] =	vst v63  }
0xc0: {  	v3 =	vadd.s32 v1, v3;
	s28 =	simm.s32 $0xD080  }
0xc1: {  	[tilespmem:s28], [sflag:$0x1] =	stream.indirect_vreg.gather [hbm4b:s9+s4], $0x80, v4, vm0, $0xb8;
	[tilespmem:$0x10080] =	vst v63  }
0xc2: {  	s28 =	simm.s32 $0xD880  }
0xc3: {  	[tilespmem:s28], [sflag:$0x1] =	stream.indirect_vreg.gather [hbm4b:s10+s4], $0x80, v4, vm0, $0xb8;
	[tilespmem:$0x10080] =	vst v63  }
0xc4: {  	s28 =	simm.s32 $0xE080  }
0xc5: {  	[tilespmem:s28], [sflag:$0x1] =	stream.indirect_vreg.gather [hbm4b:s2+s4], $0x80, v3, vm0, $0xb8;
	[tilespmem:$0x10080] =	vst v63  }
0xc6: {  	s28 =	simm.s32 $0xE880  }
0xc7: {  	[tilespmem:s28], [sflag:$0x1] =	stream.indirect_vreg.gather [hbm4b:s8+s4], $0x80, v3, vm0, $0xb8;
	[tilespmem:$0x10080] =	vst v63  }
0xc8: {  	s28 =	simm.s32 $0xF080  }
0xc9: {  	[tilespmem:s28], [sflag:$0x1] =	stream.indirect_vreg.gather [hbm4b:s9+s4], $0x80, v3, vm0, $0xb8;
	[tilespmem:$0x10080] =	vst v63  }
0xca: {  	s28 =	simm.s32 $0xF880  }
0xcb: {  	[tilespmem:s28], [sflag:$0x1] =	stream.indirect_vreg.gather [hbm4b:s10+s4], $0x80, v3, vm0, $0xb8;
	[tilespmem:$0x10080] =	vst v63  }
0xcc: {  	_ =	swait.ge [sflag:s26], $0x10000  }
0xcd: {  	p0 =	sne.s32 s11, $0x1;
	[sflag:s26] =	ssyncset.done $0x0  }
.Ltmp0:
0xce: {  	s3 =	rddreg [dreg:$0x8];
	[sflag:s26] =	ssyncadd.s32 $0xFFFF0000;
	(pc) =	sbr.rel @p0 .LBB2_1-.Ltmp0, $4  }
0xcf: {  	[hbm4b:s3+s4] =	stream.linear.scatter [tilespmem:s0], [sflag:$0x2], $0x10000, $0x38;
	[tilespmem:$0x10080] =	vst v63  }
0xd0: {  	_ =	swait.ge [sflag:s12], $0x10000  }
0xd1: {  	[sflag:s12] =	ssyncset.done $0x0  }
0xd2: {  	s11 =	sadd.s32 $0xFFFFFFFF, s11;
	[sflag:s12] =	ssyncadd.s32 $0xFFFF0000  }
0xd3: {  	_ =	sfence.sel $0x180000  }
0xd4: {  	[bflag:$0x0] =	sbarrier.arrive $0xFFFF  }
0xd5: {  	_ =	strace $0x90000047  }
0xd6: {  	s0 =	stileid.u32;
	[bflag:$0x2] =	sbarrier.arrive $0xFFFF  }
0xd7: {  	p0 =	sne.s32 s0, $0x0;
	s0 =	rddreg [dreg:$0x5]  }
0xd8: {  	s0 =	sadd.s32 @!p0 $0x100000, s0  }
0xd9: {  	[sflag:s0] =	ssyncadd.tile.s32 @!p0 $0x1;
	_ =	shalt  }
.Lfunc_end2:
_tile_overlayer_lowered:
.L_overlay_start_2:
0xda: {  	(tag) =	ssettag $0x2  }
0xdb: {  	s0 =	rddreg [dreg:$0x0];
	s2 =	stileid.u32  }
0xdc: {  	s1 =	rddreg [dreg:$0x1];
	p0 =	sne.s32 s2, $0x0  }
0xdd: {  	s3 =	rddreg [dreg:$0x2];
	[bflag:$0x3] =	sbarrier.arrive $0xFFFF;
	s2 =	simm.s32 @!p0 $0x1C02  }
0xde: {  	[timem:s3], [sflag:s2] =	dma.local @!p0 [hbm:s0], s1  }
0xdf: {  	s0 =	simm.s32 @!p0 $0x2  }
0xe0: {  	_ =	swait.ge @!p0 [sflag:s0], s1  }
0xe1: {  	s1 =	ssub.s32 @!p0 $0x0, s1;
	[sflag:s0] =	ssyncset.done @!p0 $0x0  }
0xe2: {  	[sflag:s0] =	ssyncadd.s32 @!p0 s1  }
0xe3: {  	[bflag:$0x3] =	sbarrier.arrive $0xFFFF  }
0xe4: {  	_ =	shalt  }

</sc_bundles>
